<compile_context>
chip_gen: v7x
topology: tpu7x:2x2x1
jax: 0.10.2.dev20260603
libtpu: 0.0.44.dev20260713+nightly
codegen_flags: <defaults>
</compile_context>

<pallas_src>
import jax
import jax.numpy as jnp
from jax.experimental import pallas as pl
from jax.experimental.pallas import tpu as pltpu

ITERATIONS = 512
LEN_SAMPLE = 4
THRESHOLD = 5.0
N = 65536
MBLK = 16
NCHUNK = 2048


def _count_kernel(xt_ref, yt_ref, m_ref, model_out_ref, cnt_out_ref, counts_ref):
    m = pl.program_id(0)
    t0 = m_ref[pl.ds(m * MBLK, MBLK), 0:1]
    t1 = m_ref[pl.ds(m * MBLK, MBLK), 1:2]

    nchunks = N // NCHUNK
    accs = [jnp.zeros((MBLK, NCHUNK), jnp.int32) for _ in range(4)]
    for j in range(nchunks):
        x0 = xt_ref[0:1, j * NCHUNK:(j + 1) * NCHUNK]
        x1 = xt_ref[1:2, j * NCHUNK:(j + 1) * NCHUNK]
        y0 = yt_ref[0:1, j * NCHUNK:(j + 1) * NCHUNK]
        y1 = yt_ref[1:2, j * NCHUNK:(j + 1) * NCHUNK]
        a = (x0 + t0) - y0
        b = (x1 + t1) - y1
        r = a * a + b * b
        accs[j % 4] = accs[j % 4] + (r < THRESHOLD * THRESHOLD).astype(jnp.int32)
    acc = (accs[0] + accs[1]) + (accs[2] + accs[3])
    counts_ref[pl.ds(m * MBLK, MBLK), :] = jnp.sum(acc, axis=1, keepdims=True)

    @pl.when(m == pl.num_programs(0) - 1)
    def _():
        counts = counts_ref[...]
        maxc = jnp.max(counts)
        ii = jax.lax.broadcasted_iota(jnp.int32, (ITERATIONS, 1), 0)
        best = jnp.min(jnp.where(counts == maxc, ii, ITERATIONS))
        sel = ii == best
        model_out_ref[0] = jnp.sum(jnp.where(sel, m_ref[:, 0:1], 0.0))
        model_out_ref[1] = jnp.sum(jnp.where(sel, m_ref[:, 1:2], 0.0))
        cnt_out_ref[0] = maxc


def _score(xt, yt, models):
    return pl.pallas_call(
        _count_kernel,
        grid=(ITERATIONS // MBLK,),
        in_specs=[
            pl.BlockSpec((2, N), lambda m: (0, 0)),
            pl.BlockSpec((2, N), lambda m: (0, 0)),
            pl.BlockSpec((ITERATIONS, 2), lambda m: (0, 0)),
        ],
        out_specs=[
            pl.BlockSpec(memory_space=pltpu.SMEM),
            pl.BlockSpec(memory_space=pltpu.SMEM),
        ],
        out_shape=[
            jax.ShapeDtypeStruct((2,), jnp.float32),
            jax.ShapeDtypeStruct((1,), jnp.int32),
        ],
        scratch_shapes=[pltpu.VMEM((ITERATIONS, 1), jnp.int32)],
    )(xt, yt, models)


def _selections(n):
    sel = jax.random.uniform(
        jax.random.key(1), (ITERATIONS, LEN_SAMPLE), dtype=jnp.float32)
    sel = sel * (n - 1e-08)
    return sel.astype(jnp.int32).reshape(-1)


def _models_host(x, y, sel):
    xs = jnp.take(x, sel, axis=0).reshape(ITERATIONS, LEN_SAMPLE, 2)
    ys = jnp.take(y, sel, axis=0).reshape(ITERATIONS, LEN_SAMPLE, 2)
    return jnp.mean(ys - xs, axis=1)


def kernel(x, y):
    sel = _selections(x.shape[0])
    models = _models_host(x, y, sel)
    xt = x.T
    yt = y.T
    model_out, cnt_out = _score(xt, yt, models)
    return (model_out, cnt_out[0])

# --- scband reference (transcript-rebuilt; emitter-appended) ---
"""Pipeline reference for scband-ransac-24799141167262 (READ-ONLY COPY).

The authoritative reference and input builder live on the scoring server;
editing this copy changes nothing except your own understanding.
"""

import jax, jax.numpy as jnp
import numpy as np

ITERATIONS = 512
LEN_SAMPLE = 4
THRESHOLD = 5.0
N = 65536


def setup_inputs(seed: int = 0) -> dict:
    key = jax.random.key(seed)
    k1, k2 = jax.random.split(key)
    x = jax.random.normal(k1, (N, 2), dtype=jnp.float32)
    y = jax.random.normal(k2, (N, 2), dtype=jnp.float32)
    return {"x": x, "y": y}


def _model(x_sel, y_sel):
    # translation model: t = mean(y - x) over the minimal sample
    # x_sel, y_sel: (iterations, len_sample, 2) -> (iterations, 2)
    return jnp.mean(y_sel - x_sel, axis=1)


def _criterion(all_models, x, y):
    # L2 residual of each point under each hypothesized translation
    # all_models: (iterations, 2); x, y: (N, 2) -> (iterations, N)
    pred = x[None, :, :] + all_models[:, None, :]
    return jnp.sqrt(jnp.sum((pred - y[None, :, :]) ** 2, axis=-1))


def reference(x, y):
    n = x.shape[0]
    # torch.rand(iterations, len_sample) * (len(x) - 1e-8) -> int32 indices
    sel_key = jax.random.key(1)
    selections = jax.random.uniform(sel_key, (ITERATIONS, LEN_SAMPLE), dtype=jnp.float32)
    selections = selections * (n - 1e-08)
    selections = selections.astype(jnp.int32).reshape(-1)
    x_sel = jnp.take(x, selections, axis=0).reshape(ITERATIONS, LEN_SAMPLE, 2)
    y_sel = jnp.take(y, selections, axis=0).reshape(ITERATIONS, LEN_SAMPLE, 2)
    all_models = _model(x_sel, y_sel)
    lose_arr = _criterion(all_models, x, y)
    counts = (lose_arr < THRESHOLD).sum(axis=-1)
    best = jnp.argmax(counts)
    return (all_models[best], jnp.max(counts))

if __name__ == "__main__":
    import jax
    _d = setup_inputs()
    print(jax.jit(kernel)(*tuple(_d.values())))

</pallas_src>

<mosaic_0001>
module attributes {stable_mosaic.version = 14 : i64} {
  func.func @_count_kernel(%arg0: i32, %arg1: memref<2x65536xf32, #tpu.memory_space<vmem>>, %arg2: memref<2x65536xf32, #tpu.memory_space<vmem>>, %arg3: memref<512x2xf32, #tpu.memory_space<vmem>>, %arg4: memref<2xf32, #tpu.memory_space<smem>>, %arg5: memref<1xi32, #tpu.memory_space<smem>>, %arg6: memref<512x1xi32, #tpu.memory_space<vmem>>) attributes {dimension_semantics = [#tpu.dimension_semantics<arbitrary>], iteration_bounds = array<i64: 32>, scalar_prefetch = 0 : i64, scratch_operands = 1 : i64, tpu.core_type = #tpu.core_type<tc>, window_params = [{pipeline_mode = #tpu.pipeline_mode<synchronous>, transform_indices = @transform_0, window_bounds = array<i64: 2, 65536>}, {pipeline_mode = #tpu.pipeline_mode<synchronous>, transform_indices = @transform_1, window_bounds = array<i64: 2, 65536>}, {pipeline_mode = #tpu.pipeline_mode<synchronous>, transform_indices = @transform_2, window_bounds = array<i64: 512, 2>}, {transform_indices = @transform_3, window_bounds = array<i64: 2>}, {transform_indices = @transform_4, window_bounds = array<i64: 1>}]} {
    %mul3A = arith.constant 16 : i32
    %mul3A_0 = arith.muli %arg0, %mul3A : i32
    %get3A = arith.index_cast %mul3A_0 : i32 to index
    %get3A_1 = arith.constant 0 : index
    %get3A_2 = vector.load %arg3[%get3A, %get3A_1] : memref<512x2xf32, #tpu.memory_space<vmem>>, vector<16x1xf32>
    %mul3A_3 = arith.constant 16 : i32
    %mul3A_4 = arith.muli %arg0, %mul3A_3 : i32
    %get3A_5 = arith.index_cast %mul3A_4 : i32 to index
    %get3A_6 = arith.constant 1 : index
    %get3A_7 = vector.load %arg3[%get3A_5, %get3A_6] : memref<512x2xf32, #tpu.memory_space<vmem>>, vector<16x1xf32>
    %broadcast_in_dim3A = arith.constant 0 : i32
    %broadcast_in_dim3A_8 = vector.broadcast %broadcast_in_dim3A : i32 to vector<16x2048xi32>
    %broadcast_in_dim3A_9 = arith.constant 0 : i32
    %broadcast_in_dim3A_10 = vector.broadcast %broadcast_in_dim3A_9 : i32 to vector<16x2048xi32>
    %broadcast_in_dim3A_11 = arith.constant 0 : i32
    %broadcast_in_dim3A_12 = vector.broadcast %broadcast_in_dim3A_11 : i32 to vector<16x2048xi32>
    %broadcast_in_dim3A_13 = arith.constant 0 : i32
    %broadcast_in_dim3A_14 = vector.broadcast %broadcast_in_dim3A_13 : i32 to vector<16x2048xi32>
    %get3A_15 = arith.constant 0 : index
    %get3A_16 = arith.constant 0 : index
    %get3A_17 = vector.load %arg1[%get3A_15, %get3A_16] : memref<2x65536xf32, #tpu.memory_space<vmem>>, vector<1x2048xf32>
    %get3A_18 = arith.constant 1 : index
    %get3A_19 = arith.constant 0 : index
    %get3A_20 = vector.load %arg1[%get3A_18, %get3A_19] : memref<2x65536xf32, #tpu.memory_space<vmem>>, vector<1x2048xf32>
    %get3A_21 = arith.constant 0 : index
    %get3A_22 = arith.constant 0 : index
    %get3A_23 = vector.load %arg2[%get3A_21, %get3A_22] : memref<2x65536xf32, #tpu.memory_space<vmem>>, vector<1x2048xf32>
    %get3A_24 = arith.constant 1 : index
    %get3A_25 = arith.constant 0 : index
    %get3A_26 = vector.load %arg2[%get3A_24, %get3A_25] : memref<2x65536xf32, #tpu.memory_space<vmem>>, vector<1x2048xf32>
    %add3A = vector.broadcast %get3A_17 : vector<1x2048xf32> to vector<16x2048xf32>
    %add3A_27 = vector.broadcast %get3A_2 : vector<16x1xf32> to vector<16x2048xf32>
    %add3A_28 = arith.addf %add3A, %add3A_27 : vector<16x2048xf32>
    %sub3A = vector.broadcast %get3A_23 : vector<1x2048xf32> to vector<16x2048xf32>
    %sub3A_29 = arith.subf %add3A_28, %sub3A : vector<16x2048xf32>
    %add3A_30 = vector.broadcast %get3A_20 : vector<1x2048xf32> to vector<16x2048xf32>
    %add3A_31 = vector.broadcast %get3A_7 : vector<16x1xf32> to vector<16x2048xf32>
    %add3A_32 = arith.addf %add3A_30, %add3A_31 : vector<16x2048xf32>
    %sub3A_33 = vector.broadcast %get3A_26 : vector<1x2048xf32> to vector<16x2048xf32>
    %sub3A_34 = arith.subf %add3A_32, %sub3A_33 : vector<16x2048xf32>
    %mul3A_35 = arith.mulf %sub3A_29, %sub3A_29 : vector<16x2048xf32>
    %mul3A_36 = arith.mulf %sub3A_34, %sub3A_34 : vector<16x2048xf32>
    %add3A_37 = arith.addf %mul3A_35, %mul3A_36 : vector<16x2048xf32>
    %lt3A = arith.constant 2.500000e+01 : f32
    %lt3A_38 = vector.broadcast %lt3A : f32 to vector<16x2048xf32>
    %lt3A_39 = arith.cmpf olt, %add3A_37, %lt3A_38 : vector<16x2048xf32>
    %convert_element_type3A = arith.extui %lt3A_39 : vector<16x2048xi1> to vector<16x2048xi32>
    %add3A_40 = arith.addi %broadcast_in_dim3A_8, %convert_element_type3A : vector<16x2048xi32>
    %get3A_41 = arith.constant 0 : index
    %get3A_42 = arith.constant 2048 : index
    %get3A_43 = vector.load %arg1[%get3A_41, %get3A_42] : memref<2x65536xf32, #tpu.memory_space<vmem>>, vector<1x2048xf32>
    %get3A_44 = arith.constant 1 : index
    %get3A_45 = arith.constant 2048 : index
    %get3A_46 = vector.load %arg1[%get3A_44, %get3A_45] : memref<2x65536xf32, #tpu.memory_space<vmem>>, vector<1x2048xf32>
    %get3A_47 = arith.constant 0 : index
    %get3A_48 = arith.constant 2048 : index
    %get3A_49 = vector.load %arg2[%get3A_47, %get3A_48] : memref<2x65536xf32, #tpu.memory_space<vmem>>, vector<1x2048xf32>
    %get3A_50 = arith.constant 1 : index
    %get3A_51 = arith.constant 2048 : index
    %get3A_52 = vector.load %arg2[%get3A_50, %get3A_51] : memref<2x65536xf32, #tpu.memory_space<vmem>>, vector<1x2048xf32>
    %add3A_53 = vector.broadcast %get3A_43 : vector<1x2048xf32> to vector<16x2048xf32>
    %add3A_54 = vector.broadcast %get3A_2 : vector<16x1xf32> to vector<16x2048xf32>
    %add3A_55 = arith.addf %add3A_53, %add3A_54 : vector<16x2048xf32>
    %sub3A_56 = vector.broadcast %get3A_49 : vector<1x2048xf32> to vector<16x2048xf32>
    %sub3A_57 = arith.subf %add3A_55, %sub3A_56 : vector<16x2048xf32>
    %add3A_58 = vector.broadcast %get3A_46 : vector<1x2048xf32> to vector<16x2048xf32>
    %add3A_59 = vector.broadcast %get3A_7 : vector<16x1xf32> to vector<16x2048xf32>
    %add3A_60 = arith.addf %add3A_58, %add3A_59 : vector<16x2048xf32>
    %sub3A_61 = vector.broadcast %get3A_52 : vector<1x2048xf32> to vector<16x2048xf32>
    %sub3A_62 = arith.subf %add3A_60, %sub3A_61 : vector<16x2048xf32>
    %mul3A_63 = arith.mulf %sub3A_57, %sub3A_57 : vector<16x2048xf32>
    %mul3A_64 = arith.mulf %sub3A_62, %sub3A_62 : vector<16x2048xf32>
    %add3A_65 = arith.addf %mul3A_63, %mul3A_64 : vector<16x2048xf32>
    %lt3A_66 = arith.constant 2.500000e+01 : f32
    %lt3A_67 = vector.broadcast %lt3A_66 : f32 to vector<16x2048xf32>
    %lt3A_68 = arith.cmpf olt, %add3A_65, %lt3A_67 : vector<16x2048xf32>
    %convert_element_type3A_69 = arith.extui %lt3A_68 : vector<16x2048xi1> to vector<16x2048xi32>
    %add3A_70 = arith.addi %broadcast_in_dim3A_10, %convert_element_type3A_69 : vector<16x2048xi32>
    %get3A_71 = arith.constant 0 : index
    %get3A_72 = arith.constant 4096 : index
    %get3A_73 = vector.load %arg1[%get3A_71, %get3A_72] : memref<2x65536xf32, #tpu.memory_space<vmem>>, vector<1x2048xf32>
    %get3A_74 = arith.constant 1 : index
    %get3A_75 = arith.constant 4096 : index
    %get3A_76 = vector.load %arg1[%get3A_74, %get3A_75] : memref<2x65536xf32, #tpu.memory_space<vmem>>, vector<1x2048xf32>
    %get3A_77 = arith.constant 0 : index
    %get3A_78 = arith.constant 4096 : index
    %get3A_79 = vector.load %arg2[%get3A_77, %get3A_78] : memref<2x65536xf32, #tpu.memory_space<vmem>>, vector<1x2048xf32>
    %get3A_80 = arith.constant 1 : index
    %get3A_81 = arith.constant 4096 : index
    %get3A_82 = vector.load %arg2[%get3A_80, %get3A_81] : memref<2x65536xf32, #tpu.memory_space<vmem>>, vector<1x2048xf32>
    %add3A_83 = vector.broadcast %get3A_73 : vector<1x2048xf32> to vector<16x2048xf32>
    %add3A_84 = vector.broadcast %get3A_2 : vector<16x1xf32> to vector<16x2048xf32>
    %add3A_85 = arith.addf %add3A_83, %add3A_84 : vector<16x2048xf32>
    %sub3A_86 = vector.broadcast %get3A_79 : vector<1x2048xf32> to vector<16x2048xf32>
    %sub3A_87 = arith.subf %add3A_85, %sub3A_86 : vector<16x2048xf32>
    %add3A_88 = vector.broadcast %get3A_76 : vector<1x2048xf32> to vector<16x2048xf32>
    %add3A_89 = vector.broadcast %get3A_7 : vector<16x1xf32> to vector<16x2048xf32>
    %add3A_90 = arith.addf %add3A_88, %add3A_89 : vector<16x2048xf32>
    %sub3A_91 = vector.broadcast %get3A_82 : vector<1x2048xf32> to vector<16x2048xf32>
    %sub3A_92 = arith.subf %add3A_90, %sub3A_91 : vector<16x2048xf32>
    %mul3A_93 = arith.mulf %sub3A_87, %sub3A_87 : vector<16x2048xf32>
    %mul3A_94 = arith.mulf %sub3A_92, %sub3A_92 : vector<16x2048xf32>
    %add3A_95 = arith.addf %mul3A_93, %mul3A_94 : vector<16x2048xf32>
    %lt3A_96 = arith.constant 2.500000e+01 : f32
    %lt3A_97 = vector.broadcast %lt3A_96 : f32 to vector<16x2048xf32>
    %lt3A_98 = arith.cmpf olt, %add3A_95, %lt3A_97 : vector<16x2048xf32>
    %convert_element_type3A_99 = arith.extui %lt3A_98 : vector<16x2048xi1> to vector<16x2048xi32>
    %add3A_100 = arith.addi %broadcast_in_dim3A_12, %convert_element_type3A_99 : vector<16x2048xi32>
    %get3A_101 = arith.constant 0 : index
    %get3A_102 = arith.constant 6144 : index
    %get3A_103 = vector.load %arg1[%get3A_101, %get3A_102] : memref<2x65536xf32, #tpu.memory_space<vmem>>, vector<1x2048xf32>
    %get3A_104 = arith.constant 1 : index
    %get3A_105 = arith.constant 6144 : index
    %get3A_106 = vector.load %arg1[%get3A_104, %get3A_105] : memref<2x65536xf32, #tpu.memory_space<vmem>>, vector<1x2048xf32>
    %get3A_107 = arith.constant 0 : index
    %get3A_108 = arith.constant 6144 : index
    %get3A_109 = vector.load %arg2[%get3A_107, %get3A_108] : memref<2x65536xf32, #tpu.memory_space<vmem>>, vector<1x2048xf32>
    %get3A_110 = arith.constant 1 : index
    %get3A_111 = arith.constant 6144 : index
    %get3A_112 = vector.load %arg2[%get3A_110, %get3A_111] : memref<2x65536xf32, #tpu.memory_space<vmem>>, vector<1x2048xf32>
    %add3A_113 = vector.broadcast %get3A_103 : vector<1x2048xf32> to vector<16x2048xf32>
    %add3A_114 = vector.broadcast %get3A_2 : vector<16x1xf32> to vector<16x2048xf32>
    %add3A_115 = arith.addf %add3A_113, %add3A_114 : vector<16x2048xf32>
    %sub3A_116 = vector.broadcast %get3A_109 : vector<1x2048xf32> to vector<16x2048xf32>
    %sub3A_117 = arith.subf %add3A_115, %sub3A_116 : vector<16x2048xf32>
    %add3A_118 = vector.broadcast %get3A_106 : vector<1x2048xf32> to vector<16x2048xf32>
    %add3A_119 = vector.broadcast %get3A_7 : vector<16x1xf32> to vector<16x2048xf32>
    %add3A_120 = arith.addf %add3A_118, %add3A_119 : vector<16x2048xf32>
    %sub3A_121 = vector.broadcast %get3A_112 : vector<1x2048xf32> to vector<16x2048xf32>
    %sub3A_122 = arith.subf %add3A_120, %sub3A_121 : vector<16x2048xf32>
    %mul3A_123 = arith.mulf %sub3A_117, %sub3A_117 : vector<16x2048xf32>
    %mul3A_124 = arith.mulf %sub3A_122, %sub3A_122 : vector<16x2048xf32>
    %add3A_125 = arith.addf %mul3A_123, %mul3A_124 : vector<16x2048xf32>
    %lt3A_126 = arith.constant 2.500000e+01 : f32
    %lt3A_127 = vector.broadcast %lt3A_126 : f32 to vector<16x2048xf32>
    %lt3A_128 = arith.cmpf olt, %add3A_125, %lt3A_127 : vector<16x2048xf32>
    %convert_element_type3A_129 = arith.extui %lt3A_128 : vector<16x2048xi1> to vector<16x2048xi32>
    %add3A_130 = arith.addi %broadcast_in_dim3A_14, %convert_element_type3A_129 : vector<16x2048xi32>
    %get3A_131 = arith.constant 0 : index
    %get3A_132 = arith.constant 8192 : index
    %get3A_133 = vector.load %arg1[%get3A_131, %get3A_132] : memref<2x65536xf32, #tpu.memory_space<vmem>>, vector<1x2048xf32>
    %get3A_134 = arith.constant 1 : index
    %get3A_135 = arith.constant 8192 : index
    %get3A_136 = vector.load %arg1[%get3A_134, %get3A_135] : memref<2x65536xf32, #tpu.memory_space<vmem>>, vector<1x2048xf32>
    %get3A_137 = arith.constant 0 : index
    %get3A_138 = arith.constant 8192 : index
    %get3A_139 = vector.load %arg2[%get3A_137, %get3A_138] : memref<2x65536xf32, #tpu.memory_space<vmem>>, vector<1x2048xf32>
    %get3A_140 = arith.constant 1 : index
    %get3A_141 = arith.constant 8192 : index
    %get3A_142 = vector.load %arg2[%get3A_140, %get3A_141] : memref<2x65536xf32, #tpu.memory_space<vmem>>, vector<1x2048xf32>
    %add3A_143 = vector.broadcast %get3A_133 : vector<1x2048xf32> to vector<16x2048xf32>
    %add3A_144 = vector.broadcast %get3A_2 : vector<16x1xf32> to vector<16x2048xf32>
    %add3A_145 = arith.addf %add3A_143, %add3A_144 : vector<16x2048xf32>
    %sub3A_146 = vector.broadcast %get3A_139 : vector<1x2048xf32> to vector<16x2048xf32>
    %sub3A_147 = arith.subf %add3A_145, %sub3A_146 : vector<16x2048xf32>
    %add3A_148 = vector.broadcast %get3A_136 : vector<1x2048xf32> to vector<16x2048xf32>
    %add3A_149 = vector.broadcast %get3A_7 : vector<16x1xf32> to vector<16x2048xf32>
    %add3A_150 = arith.addf %add3A_148, %add3A_149 : vector<16x2048xf32>
    %sub3A_151 = vector.broadcast %get3A_142 : vector<1x2048xf32> to vector<16x2048xf32>
    %sub3A_152 = arith.subf %add3A_150, %sub3A_151 : vector<16x2048xf32>
    %mul3A_153 = arith.mulf %sub3A_147, %sub3A_147 : vector<16x2048xf32>
    %mul3A_154 = arith.mulf %sub3A_152, %sub3A_152 : vector<16x2048xf32>
    %add3A_155 = arith.addf %mul3A_153, %mul3A_154 : vector<16x2048xf32>
    %lt3A_156 = arith.constant 2.500000e+01 : f32
    %lt3A_157 = vector.broadcast %lt3A_156 : f32 to vector<16x2048xf32>
    %lt3A_158 = arith.cmpf olt, %add3A_155, %lt3A_157 : vector<16x2048xf32>
    %convert_element_type3A_159 = arith.extui %lt3A_158 : vector<16x2048xi1> to vector<16x2048xi32>
    %add3A_160 = arith.addi %add3A_40, %convert_element_type3A_159 : vector<16x2048xi32>
    %get3A_161 = arith.constant 0 : index
    %get3A_162 = arith.constant 10240 : index
    %get3A_163 = vector.load %arg1[%get3A_161, %get3A_162] : memref<2x65536xf32, #tpu.memory_space<vmem>>, vector<1x2048xf32>
    %get3A_164 = arith.constant 1 : index
    %get3A_165 = arith.constant 10240 : index
    %get3A_166 = vector.load %arg1[%get3A_164, %get3A_165] : memref<2x65536xf32, #tpu.memory_space<vmem>>, vector<1x2048xf32>
    %get3A_167 = arith.constant 0 : index
    %get3A_168 = arith.constant 10240 : index
    %get3A_169 = vector.load %arg2[%get3A_167, %get3A_168] : memref<2x65536xf32, #tpu.memory_space<vmem>>, vector<1x2048xf32>
    %get3A_170 = arith.constant 1 : index
    %get3A_171 = arith.constant 10240 : index
    %get3A_172 = vector.load %arg2[%get3A_170, %get3A_171] : memref<2x65536xf32, #tpu.memory_space<vmem>>, vector<1x2048xf32>
    %add3A_173 = vector.broadcast %get3A_163 : vector<1x2048xf32> to vector<16x2048xf32>
    %add3A_174 = vector.broadcast %get3A_2 : vector<16x1xf32> to vector<16x2048xf32>
    %add3A_175 = arith.addf %add3A_173, %add3A_174 : vector<16x2048xf32>
    %sub3A_176 = vector.broadcast %get3A_169 : vector<1x2048xf32> to vector<16x2048xf32>
    %sub3A_177 = arith.subf %add3A_175, %sub3A_176 : vector<16x2048xf32>
    %add3A_178 = vector.broadcast %get3A_166 : vector<1x2048xf32> to vector<16x2048xf32>
    %add3A_179 = vector.broadcast %get3A_7 : vector<16x1xf32> to vector<16x2048xf32>
    %add3A_180 = arith.addf %add3A_178, %add3A_179 : vector<16x2048xf32>
    %sub3A_181 = vector.broadcast %get3A_172 : vector<1x2048xf32> to vector<16x2048xf32>
    %sub3A_182 = arith.subf %add3A_180, %sub3A_181 : vector<16x2048xf32>
    %mul3A_183 = arith.mulf %sub3A_177, %sub3A_177 : vector<16x2048xf32>
    %mul3A_184 = arith.mulf %sub3A_182, %sub3A_182 : vector<16x2048xf32>
    %add3A_185 = arith.addf %mul3A_183, %mul3A_184 : vector<16x2048xf32>
    %lt3A_186 = arith.constant 2.500000e+01 : f32
    %lt3A_187 = vector.broadcast %lt3A_186 : f32 to vector<16x2048xf32>
    %lt3A_188 = arith.cmpf olt, %add3A_185, %lt3A_187 : vector<16x2048xf32>
    %convert_element_type3A_189 = arith.extui %lt3A_188 : vector<16x2048xi1> to vector<16x2048xi32>
    %add3A_190 = arith.addi %add3A_70, %convert_element_type3A_189 : vector<16x2048xi32>
    %get3A_191 = arith.constant 0 : index
    %get3A_192 = arith.constant 12288 : index
    %get3A_193 = vector.load %arg1[%get3A_191, %get3A_192] : memref<2x65536xf32, #tpu.memory_space<vmem>>, vector<1x2048xf32>
    %get3A_194 = arith.constant 1 : index
    %get3A_195 = arith.constant 12288 : index
    %get3A_196 = vector.load %arg1[%get3A_194, %get3A_195] : memref<2x65536xf32, #tpu.memory_space<vmem>>, vector<1x2048xf32>
    %get3A_197 = arith.constant 0 : index
    %get3A_198 = arith.constant 12288 : index
    %get3A_199 = vector.load %arg2[%get3A_197, %get3A_198] : memref<2x65536xf32, #tpu.memory_space<vmem>>, vector<1x2048xf32>
    %get3A_200 = arith.constant 1 : index
    %get3A_201 = arith.constant 12288 : index
    %get3A_202 = vector.load %arg2[%get3A_200, %get3A_201] : memref<2x65536xf32, #tpu.memory_space<vmem>>, vector<1x2048xf32>
    %add3A_203 = vector.broadcast %get3A_193 : vector<1x2048xf32> to vector<16x2048xf32>
    %add3A_204 = vector.broadcast %get3A_2 : vector<16x1xf32> to vector<16x2048xf32>
    %add3A_205 = arith.addf %add3A_203, %add3A_204 : vector<16x2048xf32>
    %sub3A_206 = vector.broadcast %get3A_199 : vector<1x2048xf32> to vector<16x2048xf32>
    %sub3A_207 = arith.subf %add3A_205, %sub3A_206 : vector<16x2048xf32>
    %add3A_208 = vector.broadcast %get3A_196 : vector<1x2048xf32> to vector<16x2048xf32>
    %add3A_209 = vector.broadcast %get3A_7 : vector<16x1xf32> to vector<16x2048xf32>
    %add3A_210 = arith.addf %add3A_208, %add3A_209 : vector<16x2048xf32>
    %sub3A_211 = vector.broadcast %get3A_202 : vector<1x2048xf32> to vector<16x2048xf32>
    %sub3A_212 = arith.subf %add3A_210, %sub3A_211 : vector<16x2048xf32>
    %mul3A_213 = arith.mulf %sub3A_207, %sub3A_207 : vector<16x2048xf32>
    %mul3A_214 = arith.mulf %sub3A_212, %sub3A_212 : vector<16x2048xf32>
    %add3A_215 = arith.addf %mul3A_213, %mul3A_214 : vector<16x2048xf32>
    %lt3A_216 = arith.constant 2.500000e+01 : f32
    %lt3A_217 = vector.broadcast %lt3A_216 : f32 to vector<16x2048xf32>
    %lt3A_218 = arith.cmpf olt, %add3A_215, %lt3A_217 : vector<16x2048xf32>
    %convert_element_type3A_219 = arith.extui %lt3A_218 : vector<16x2048xi1> to vector<16x2048xi32>
    %add3A_220 = arith.addi %add3A_100, %convert_element_type3A_219 : vector<16x2048xi32>
    %get3A_221 = arith.constant 0 : index
    %get3A_222 = arith.constant 14336 : index
    %get3A_223 = vector.load %arg1[%get3A_221, %get3A_222] : memref<2x65536xf32, #tpu.memory_space<vmem>>, vector<1x2048xf32>
    %get3A_224 = arith.constant 1 : index
    %get3A_225 = arith.constant 14336 : index
    %get3A_226 = vector.load %arg1[%get3A_224, %get3A_225] : memref<2x65536xf32, #tpu.memory_space<vmem>>, vector<1x2048xf32>
    %get3A_227 = arith.constant 0 : index
    %get3A_228 = arith.constant 14336 : index
    %get3A_229 = vector.load %arg2[%get3A_227, %get3A_228] : memref<2x65536xf32, #tpu.memory_space<vmem>>, vector<1x2048xf32>
    %get3A_230 = arith.constant 1 : index
    %get3A_231 = arith.constant 14336 : index
    %get3A_232 = vector.load %arg2[%get3A_230, %get3A_231] : memref<2x65536xf32, #tpu.memory_space<vmem>>, vector<1x2048xf32>
    %add3A_233 = vector.broadcast %get3A_223 : vector<1x2048xf32> to vector<16x2048xf32>
    %add3A_234 = vector.broadcast %get3A_2 : vector<16x1xf32> to vector<16x2048xf32>
    %add3A_235 = arith.addf %add3A_233, %add3A_234 : vector<16x2048xf32>
    %sub3A_236 = vector.broadcast %get3A_229 : vector<1x2048xf32> to vector<16x2048xf32>
    %sub3A_237 = arith.subf %add3A_235, %sub3A_236 : vector<16x2048xf32>
    %add3A_238 = vector.broadcast %get3A_226 : vector<1x2048xf32> to vector<16x2048xf32>
    %add3A_239 = vector.broadcast %get3A_7 : vector<16x1xf32> to vector<16x2048xf32>
    %add3A_240 = arith.addf %add3A_238, %add3A_239 : vector<16x2048xf32>
    %sub3A_241 = vector.broadcast %get3A_232 : vector<1x2048xf32> to vector<16x2048xf32>
    %sub3A_242 = arith.subf %add3A_240, %sub3A_241 : vector<16x2048xf32>
    %mul3A_243 = arith.mulf %sub3A_237, %sub3A_237 : vector<16x2048xf32>
    %mul3A_244 = arith.mulf %sub3A_242, %sub3A_242 : vector<16x2048xf32>
    %add3A_245 = arith.addf %mul3A_243, %mul3A_244 : vector<16x2048xf32>
    %lt3A_246 = arith.constant 2.500000e+01 : f32
    %lt3A_247 = vector.broadcast %lt3A_246 : f32 to vector<16x2048xf32>
    %lt3A_248 = arith.cmpf olt, %add3A_245, %lt3A_247 : vector<16x2048xf32>
    %convert_element_type3A_249 = arith.extui %lt3A_248 : vector<16x2048xi1> to vector<16x2048xi32>
    %add3A_250 = arith.addi %add3A_130, %convert_element_type3A_249 : vector<16x2048xi32>
    %get3A_251 = arith.constant 0 : index
    %get3A_252 = arith.constant 16384 : index
    %get3A_253 = vector.load %arg1[%get3A_251, %get3A_252] : memref<2x65536xf32, #tpu.memory_space<vmem>>, vector<1x2048xf32>
    %get3A_254 = arith.constant 1 : index
    %get3A_255 = arith.constant 16384 : index
    %get3A_256 = vector.load %arg1[%get3A_254, %get3A_255] : memref<2x65536xf32, #tpu.memory_space<vmem>>, vector<1x2048xf32>
    %get3A_257 = arith.constant 0 : index
    %get3A_258 = arith.constant 16384 : index
    %get3A_259 = vector.load %arg2[%get3A_257, %get3A_258] : memref<2x65536xf32, #tpu.memory_space<vmem>>, vector<1x2048xf32>
    %get3A_260 = arith.constant 1 : index
    %get3A_261 = arith.constant 16384 : index
    %get3A_262 = vector.load %arg2[%get3A_260, %get3A_261] : memref<2x65536xf32, #tpu.memory_space<vmem>>, vector<1x2048xf32>
    %add3A_263 = vector.broadcast %get3A_253 : vector<1x2048xf32> to vector<16x2048xf32>
    %add3A_264 = vector.broadcast %get3A_2 : vector<16x1xf32> to vector<16x2048xf32>
    %add3A_265 = arith.addf %add3A_263, %add3A_264 : vector<16x2048xf32>
    %sub3A_266 = vector.broadcast %get3A_259 : vector<1x2048xf32> to vector<16x2048xf32>
    %sub3A_267 = arith.subf %add3A_265, %sub3A_266 : vector<16x2048xf32>
    %add3A_268 = vector.broadcast %get3A_256 : vector<1x2048xf32> to vector<16x2048xf32>
    %add3A_269 = vector.broadcast %get3A_7 : vector<16x1xf32> to vector<16x2048xf32>
    %add3A_270 = arith.addf %add3A_268, %add3A_269 : vector<16x2048xf32>
    %sub3A_271 = vector.broadcast %get3A_262 : vector<1x2048xf32> to vector<16x2048xf32>
    %sub3A_272 = arith.subf %add3A_270, %sub3A_271 : vector<16x2048xf32>
    %mul3A_273 = arith.mulf %sub3A_267, %sub3A_267 : vector<16x2048xf32>
    %mul3A_274 = arith.mulf %sub3A_272, %sub3A_272 : vector<16x2048xf32>
    %add3A_275 = arith.addf %mul3A_273, %mul3A_274 : vector<16x2048xf32>
    %lt3A_276 = arith.constant 2.500000e+01 : f32
    %lt3A_277 = vector.broadcast %lt3A_276 : f32 to vector<16x2048xf32>
    %lt3A_278 = arith.cmpf olt, %add3A_275, %lt3A_277 : vector<16x2048xf32>
    %convert_element_type3A_279 = arith.extui %lt3A_278 : vector<16x2048xi1> to vector<16x2048xi32>
    %add3A_280 = arith.addi %add3A_160, %convert_element_type3A_279 : vector<16x2048xi32>
    %get3A_281 = arith.constant 0 : index
    %get3A_282 = arith.constant 18432 : index
    %get3A_283 = vector.load %arg1[%get3A_281, %get3A_282] : memref<2x65536xf32, #tpu.memory_space<vmem>>, vector<1x2048xf32>
    %get3A_284 = arith.constant 1 : index
    %get3A_285 = arith.constant 18432 : index
    %get3A_286 = vector.load %arg1[%get3A_284, %get3A_285] : memref<2x65536xf32, #tpu.memory_space<vmem>>, vector<1x2048xf32>
    %get3A_287 = arith.constant 0 : index
    %get3A_288 = arith.constant 18432 : index
    %get3A_289 = vector.load %arg2[%get3A_287, %get3A_288] : memref<2x65536xf32, #tpu.memory_space<vmem>>, vector<1x2048xf32>
    %get3A_290 = arith.constant 1 : index
    %get3A_291 = arith.constant 18432 : index
    %get3A_292 = vector.load %arg2[%get3A_290, %get3A_291] : memref<2x65536xf32, #tpu.memory_space<vmem>>, vector<1x2048xf32>
    %add3A_293 = vector.broadcast %get3A_283 : vector<1x2048xf32> to vector<16x2048xf32>
    %add3A_294 = vector.broadcast %get3A_2 : vector<16x1xf32> to vector<16x2048xf32>
    %add3A_295 = arith.addf %add3A_293, %add3A_294 : vector<16x2048xf32>
    %sub3A_296 = vector.broadcast %get3A_289 : vector<1x2048xf32> to vector<16x2048xf32>
    %sub3A_297 = arith.subf %add3A_295, %sub3A_296 : vector<16x2048xf32>
    %add3A_298 = vector.broadcast %get3A_286 : vector<1x2048xf32> to vector<16x2048xf32>
    %add3A_299 = vector.broadcast %get3A_7 : vector<16x1xf32> to vector<16x2048xf32>
    %add3A_300 = arith.addf %add3A_298, %add3A_299 : vector<16x2048xf32>
    %sub3A_301 = vector.broadcast %get3A_292 : vector<1x2048xf32> to vector<16x2048xf32>
    %sub3A_302 = arith.subf %add3A_300, %sub3A_301 : vector<16x2048xf32>
    %mul3A_303 = arith.mulf %sub3A_297, %sub3A_297 : vector<16x2048xf32>
    %mul3A_304 = arith.mulf %sub3A_302, %sub3A_302 : vector<16x2048xf32>
    %add3A_305 = arith.addf %mul3A_303, %mul3A_304 : vector<16x2048xf32>
    %lt3A_306 = arith.constant 2.500000e+01 : f32
    %lt3A_307 = vector.broadcast %lt3A_306 : f32 to vector<16x2048xf32>
    %lt3A_308 = arith.cmpf olt, %add3A_305, %lt3A_307 : vector<16x2048xf32>
    %convert_element_type3A_309 = arith.extui %lt3A_308 : vector<16x2048xi1> to vector<16x2048xi32>
    %add3A_310 = arith.addi %add3A_190, %convert_element_type3A_309 : vector<16x2048xi32>
    %get3A_311 = arith.constant 0 : index
    %get3A_312 = arith.constant 20480 : index
    %get3A_313 = vector.load %arg1[%get3A_311, %get3A_312] : memref<2x65536xf32, #tpu.memory_space<vmem>>, vector<1x2048xf32>
    %get3A_314 = arith.constant 1 : index
    %get3A_315 = arith.constant 20480 : index
    %get3A_316 = vector.load %arg1[%get3A_314, %get3A_315] : memref<2x65536xf32, #tpu.memory_space<vmem>>, vector<1x2048xf32>
    %get3A_317 = arith.constant 0 : index
    %get3A_318 = arith.constant 20480 : index
    %get3A_319 = vector.load %arg2[%get3A_317, %get3A_318] : memref<2x65536xf32, #tpu.memory_space<vmem>>, vector<1x2048xf32>
    %get3A_320 = arith.constant 1 : index
    %get3A_321 = arith.constant 20480 : index
    %get3A_322 = vector.load %arg2[%get3A_320, %get3A_321] : memref<2x65536xf32, #tpu.memory_space<vmem>>, vector<1x2048xf32>
    %add3A_323 = vector.broadcast %get3A_313 : vector<1x2048xf32> to vector<16x2048xf32>
    %add3A_324 = vector.broadcast %get3A_2 : vector<16x1xf32> to vector<16x2048xf32>
    %add3A_325 = arith.addf %add3A_323, %add3A_324 : vector<16x2048xf32>
    %sub3A_326 = vector.broadcast %get3A_319 : vector<1x2048xf32> to vector<16x2048xf32>
    %sub3A_327 = arith.subf %add3A_325, %sub3A_326 : vector<16x2048xf32>
    %add3A_328 = vector.broadcast %get3A_316 : vector<1x2048xf32> to vector<16x2048xf32>
    %add3A_329 = vector.broadcast %get3A_7 : vector<16x1xf32> to vector<16x2048xf32>
    %add3A_330 = arith.addf %add3A_328, %add3A_329 : vector<16x2048xf32>
    %sub3A_331 = vector.broadcast %get3A_322 : vector<1x2048xf32> to vector<16x2048xf32>
    %sub3A_332 = arith.subf %add3A_330, %sub3A_331 : vector<16x2048xf32>
    %mul3A_333 = arith.mulf %sub3A_327, %sub3A_327 : vector<16x2048xf32>
    %mul3A_334 = arith.mulf %sub3A_332, %sub3A_332 : vector<16x2048xf32>
    %add3A_335 = arith.addf %mul3A_333, %mul3A_334 : vector<16x2048xf32>
    %lt3A_336 = arith.constant 2.500000e+01 : f32
    %lt3A_337 = vector.broadcast %lt3A_336 : f32 to vector<16x2048xf32>
    %lt3A_338 = arith.cmpf olt, %add3A_335, %lt3A_337 : vector<16x2048xf32>
    %convert_element_type3A_339 = arith.extui %lt3A_338 : vector<16x2048xi1> to vector<16x2048xi32>
    %add3A_340 = arith.addi %add3A_220, %convert_element_type3A_339 : vector<16x2048xi32>
    %get3A_341 = arith.constant 0 : index
    %get3A_342 = arith.constant 22528 : index
    %get3A_343 = vector.load %arg1[%get3A_341, %get3A_342] : memref<2x65536xf32, #tpu.memory_space<vmem>>, vector<1x2048xf32>
    %get3A_344 = arith.constant 1 : index
    %get3A_345 = arith.constant 22528 : index
    %get3A_346 = vector.load %arg1[%get3A_344, %get3A_345] : memref<2x65536xf32, #tpu.memory_space<vmem>>, vector<1x2048xf32>
    %get3A_347 = arith.constant 0 : index
    %get3A_348 = arith.constant 22528 : index
    %get3A_349 = vector.load %arg2[%get3A_347, %get3A_348] : memref<2x65536xf32, #tpu.memory_space<vmem>>, vector<1x2048xf32>
    %get3A_350 = arith.constant 1 : index
    %get3A_351 = arith.constant 22528 : index
    %get3A_352 = vector.load %arg2[%get3A_350, %get3A_351] : memref<2x65536xf32, #tpu.memory_space<vmem>>, vector<1x2048xf32>
    %add3A_353 = vector.broadcast %get3A_343 : vector<1x2048xf32> to vector<16x2048xf32>
    %add3A_354 = vector.broadcast %get3A_2 : vector<16x1xf32> to vector<16x2048xf32>
    %add3A_355 = arith.addf %add3A_353, %add3A_354 : vector<16x2048xf32>
    %sub3A_356 = vector.broadcast %get3A_349 : vector<1x2048xf32> to vector<16x2048xf32>
    %sub3A_357 = arith.subf %add3A_355, %sub3A_356 : vector<16x2048xf32>
    %add3A_358 = vector.broadcast %get3A_346 : vector<1x2048xf32> to vector<16x2048xf32>
    %add3A_359 = vector.broadcast %get3A_7 : vector<16x1xf32> to vector<16x2048xf32>
    %add3A_360 = arith.addf %add3A_358, %add3A_359 : vector<16x2048xf32>
    %sub3A_361 = vector.broadcast %get3A_352 : vector<1x2048xf32> to vector<16x2048xf32>
    %sub3A_362 = arith.subf %add3A_360, %sub3A_361 : vector<16x2048xf32>
    %mul3A_363 = arith.mulf %sub3A_357, %sub3A_357 : vector<16x2048xf32>
    %mul3A_364 = arith.mulf %sub3A_362, %sub3A_362 : vector<16x2048xf32>
    %add3A_365 = arith.addf %mul3A_363, %mul3A_364 : vector<16x2048xf32>
    %lt3A_366 = arith.constant 2.500000e+01 : f32
    %lt3A_367 = vector.broadcast %lt3A_366 : f32 to vector<16x2048xf32>
    %lt3A_368 = arith.cmpf olt, %add3A_365, %lt3A_367 : vector<16x2048xf32>
    %convert_element_type3A_369 = arith.extui %lt3A_368 : vector<16x2048xi1> to vector<16x2048xi32>
    %add3A_370 = arith.addi %add3A_250, %convert_element_type3A_369 : vector<16x2048xi32>
    %get3A_371 = arith.constant 0 : index
    %get3A_372 = arith.constant 24576 : index
    %get3A_373 = vector.load %arg1[%get3A_371, %get3A_372] : memref<2x65536xf32, #tpu.memory_space<vmem>>, vector<1x2048xf32>
    %get3A_374 = arith.constant 1 : index
    %get3A_375 = arith.constant 24576 : index
    %get3A_376 = vector.load %arg1[%get3A_374, %get3A_375] : memref<2x65536xf32, #tpu.memory_space<vmem>>, vector<1x2048xf32>
    %get3A_377 = arith.constant 0 : index
    %get3A_378 = arith.constant 24576 : index
    %get3A_379 = vector.load %arg2[%get3A_377, %get3A_378] : memref<2x65536xf32, #tpu.memory_space<vmem>>, vector<1x2048xf32>
    %get3A_380 = arith.constant 1 : index
    %get3A_381 = arith.constant 24576 : index
    %get3A_382 = vector.load %arg2[%get3A_380, %get3A_381] : memref<2x65536xf32, #tpu.memory_space<vmem>>, vector<1x2048xf32>
    %add3A_383 = vector.broadcast %get3A_373 : vector<1x2048xf32> to vector<16x2048xf32>
    %add3A_384 = vector.broadcast %get3A_2 : vector<16x1xf32> to vector<16x2048xf32>
    %add3A_385 = arith.addf %add3A_383, %add3A_384 : vector<16x2048xf32>
    %sub3A_386 = vector.broadcast %get3A_379 : vector<1x2048xf32> to vector<16x2048xf32>
    %sub3A_387 = arith.subf %add3A_385, %sub3A_386 : vector<16x2048xf32>
    %add3A_388 = vector.broadcast %get3A_376 : vector<1x2048xf32> to vector<16x2048xf32>
    %add3A_389 = vector.broadcast %get3A_7 : vector<16x1xf32> to vector<16x2048xf32>
    %add3A_390 = arith.addf %add3A_388, %add3A_389 : vector<16x2048xf32>
    %sub3A_391 = vector.broadcast %get3A_382 : vector<1x2048xf32> to vector<16x2048xf32>
    %sub3A_392 = arith.subf %add3A_390, %sub3A_391 : vector<16x2048xf32>
    %mul3A_393 = arith.mulf %sub3A_387, %sub3A_387 : vector<16x2048xf32>
    %mul3A_394 = arith.mulf %sub3A_392, %sub3A_392 : vector<16x2048xf32>
    %add3A_395 = arith.addf %mul3A_393, %mul3A_394 : vector<16x2048xf32>
    %lt3A_396 = arith.constant 2.500000e+01 : f32
    %lt3A_397 = vector.broadcast %lt3A_396 : f32 to vector<16x2048xf32>
    %lt3A_398 = arith.cmpf olt, %add3A_395, %lt3A_397 : vector<16x2048xf32>
    %convert_element_type3A_399 = arith.extui %lt3A_398 : vector<16x2048xi1> to vector<16x2048xi32>
    %add3A_400 = arith.addi %add3A_280, %convert_element_type3A_399 : vector<16x2048xi32>
    %get3A_401 = arith.constant 0 : index
    %get3A_402 = arith.constant 26624 : index
    %get3A_403 = vector.load %arg1[%get3A_401, %get3A_402] : memref<2x65536xf32, #tpu.memory_space<vmem>>, vector<1x2048xf32>
    %get3A_404 = arith.constant 1 : index
    %get3A_405 = arith.constant 26624 : index
    %get3A_406 = vector.load %arg1[%get3A_404, %get3A_405] : memref<2x65536xf32, #tpu.memory_space<vmem>>, vector<1x2048xf32>
    %get3A_407 = arith.constant 0 : index
    %get3A_408 = arith.constant 26624 : index
    %get3A_409 = vector.load %arg2[%get3A_407, %get3A_408] : memref<2x65536xf32, #tpu.memory_space<vmem>>, vector<1x2048xf32>
    %get3A_410 = arith.constant 1 : index
    %get3A_411 = arith.constant 26624 : index
    %get3A_412 = vector.load %arg2[%get3A_410, %get3A_411] : memref<2x65536xf32, #tpu.memory_space<vmem>>, vector<1x2048xf32>
    %add3A_413 = vector.broadcast %get3A_403 : vector<1x2048xf32> to vector<16x2048xf32>
    %add3A_414 = vector.broadcast %get3A_2 : vector<16x1xf32> to vector<16x2048xf32>
    %add3A_415 = arith.addf %add3A_413, %add3A_414 : vector<16x2048xf32>
    %sub3A_416 = vector.broadcast %get3A_409 : vector<1x2048xf32> to vector<16x2048xf32>
    %sub3A_417 = arith.subf %add3A_415, %sub3A_416 : vector<16x2048xf32>
    %add3A_418 = vector.broadcast %get3A_406 : vector<1x2048xf32> to vector<16x2048xf32>
    %add3A_419 = vector.broadcast %get3A_7 : vector<16x1xf32> to vector<16x2048xf32>
    %add3A_420 = arith.addf %add3A_418, %add3A_419 : vector<16x2048xf32>
    %sub3A_421 = vector.broadcast %get3A_412 : vector<1x2048xf32> to vector<16x2048xf32>
    %sub3A_422 = arith.subf %add3A_420, %sub3A_421 : vector<16x2048xf32>
    %mul3A_423 = arith.mulf %sub3A_417, %sub3A_417 : vector<16x2048xf32>
    %mul3A_424 = arith.mulf %sub3A_422, %sub3A_422 : vector<16x2048xf32>
    %add3A_425 = arith.addf %mul3A_423, %mul3A_424 : vector<16x2048xf32>
    %lt3A_426 = arith.constant 2.500000e+01 : f32
    %lt3A_427 = vector.broadcast %lt3A_426 : f32 to vector<16x2048xf32>
    %lt3A_428 = arith.cmpf olt, %add3A_425, %lt3A_427 : vector<16x2048xf32>
    %convert_element_type3A_429 = arith.extui %lt3A_428 : vector<16x2048xi1> to vector<16x2048xi32>
    %add3A_430 = arith.addi %add3A_310, %convert_element_type3A_429 : vector<16x2048xi32>
    %get3A_431 = arith.constant 0 : index
    %get3A_432 = arith.constant 28672 : index
    %get3A_433 = vector.load %arg1[%get3A_431, %get3A_432] : memref<2x65536xf32, #tpu.memory_space<vmem>>, vector<1x2048xf32>
    %get3A_434 = arith.constant 1 : index
    %get3A_435 = arith.constant 28672 : index
    %get3A_436 = vector.load %arg1[%get3A_434, %get3A_435] : memref<2x65536xf32, #tpu.memory_space<vmem>>, vector<1x2048xf32>
    %get3A_437 = arith.constant 0 : index
    %get3A_438 = arith.constant 28672 : index
    %get3A_439 = vector.load %arg2[%get3A_437, %get3A_438] : memref<2x65536xf32, #tpu.memory_space<vmem>>, vector<1x2048xf32>
    %get3A_440 = arith.constant 1 : index
    %get3A_441 = arith.constant 28672 : index
    %get3A_442 = vector.load %arg2[%get3A_440, %get3A_441] : memref<2x65536xf32, #tpu.memory_space<vmem>>, vector<1x2048xf32>
    %add3A_443 = vector.broadcast %get3A_433 : vector<1x2048xf32> to vector<16x2048xf32>
    %add3A_444 = vector.broadcast %get3A_2 : vector<16x1xf32> to vector<16x2048xf32>
    %add3A_445 = arith.addf %add3A_443, %add3A_444 : vector<16x2048xf32>
    %sub3A_446 = vector.broadcast %get3A_439 : vector<1x2048xf32> to vector<16x2048xf32>
    %sub3A_447 = arith.subf %add3A_445, %sub3A_446 : vector<16x2048xf32>
    %add3A_448 = vector.broadcast %get3A_436 : vector<1x2048xf32> to vector<16x2048xf32>
    %add3A_449 = vector.broadcast %get3A_7 : vector<16x1xf32> to vector<16x2048xf32>
    %add3A_450 = arith.addf %add3A_448, %add3A_449 : vector<16x2048xf32>
    %sub3A_451 = vector.broadcast %get3A_442 : vector<1x2048xf32> to vector<16x2048xf32>
    %sub3A_452 = arith.subf %add3A_450, %sub3A_451 : vector<16x2048xf32>
    %mul3A_453 = arith.mulf %sub3A_447, %sub3A_447 : vector<16x2048xf32>
    %mul3A_454 = arith.mulf %sub3A_452, %sub3A_452 : vector<16x2048xf32>
    %add3A_455 = arith.addf %mul3A_453, %mul3A_454 : vector<16x2048xf32>
    %lt3A_456 = arith.constant 2.500000e+01 : f32
    %lt3A_457 = vector.broadcast %lt3A_456 : f32 to vector<16x2048xf32>
    %lt3A_458 = arith.cmpf olt, %add3A_455, %lt3A_457 : vector<16x2048xf32>
    %convert_element_type3A_459 = arith.extui %lt3A_458 : vector<16x2048xi1> to vector<16x2048xi32>
    %add3A_460 = arith.addi %add3A_340, %convert_element_type3A_459 : vector<16x2048xi32>
    %get3A_461 = arith.constant 0 : index
    %get3A_462 = arith.constant 30720 : index
    %get3A_463 = vector.load %arg1[%get3A_461, %get3A_462] : memref<2x65536xf32, #tpu.memory_space<vmem>>, vector<1x2048xf32>
    %get3A_464 = arith.constant 1 : index
    %get3A_465 = arith.constant 30720 : index
    %get3A_466 = vector.load %arg1[%get3A_464, %get3A_465] : memref<2x65536xf32, #tpu.memory_space<vmem>>, vector<1x2048xf32>
    %get3A_467 = arith.constant 0 : index
    %get3A_468 = arith.constant 30720 : index
    %get3A_469 = vector.load %arg2[%get3A_467, %get3A_468] : memref<2x65536xf32, #tpu.memory_space<vmem>>, vector<1x2048xf32>
    %get3A_470 = arith.constant 1 : index
    %get3A_471 = arith.constant 30720 : index
    %get3A_472 = vector.load %arg2[%get3A_470, %get3A_471] : memref<2x65536xf32, #tpu.memory_space<vmem>>, vector<1x2048xf32>
    %add3A_473 = vector.broadcast %get3A_463 : vector<1x2048xf32> to vector<16x2048xf32>
    %add3A_474 = vector.broadcast %get3A_2 : vector<16x1xf32> to vector<16x2048xf32>
    %add3A_475 = arith.addf %add3A_473, %add3A_474 : vector<16x2048xf32>
    %sub3A_476 = vector.broadcast %get3A_469 : vector<1x2048xf32> to vector<16x2048xf32>
    %sub3A_477 = arith.subf %add3A_475, %sub3A_476 : vector<16x2048xf32>
    %add3A_478 = vector.broadcast %get3A_466 : vector<1x2048xf32> to vector<16x2048xf32>
    %add3A_479 = vector.broadcast %get3A_7 : vector<16x1xf32> to vector<16x2048xf32>
    %add3A_480 = arith.addf %add3A_478, %add3A_479 : vector<16x2048xf32>
    %sub3A_481 = vector.broadcast %get3A_472 : vector<1x2048xf32> to vector<16x2048xf32>
    %sub3A_482 = arith.subf %add3A_480, %sub3A_481 : vector<16x2048xf32>
    %mul3A_483 = arith.mulf %sub3A_477, %sub3A_477 : vector<16x2048xf32>
    %mul3A_484 = arith.mulf %sub3A_482, %sub3A_482 : vector<16x2048xf32>
    %add3A_485 = arith.addf %mul3A_483, %mul3A_484 : vector<16x2048xf32>
    %lt3A_486 = arith.constant 2.500000e+01 : f32
    %lt3A_487 = vector.broadcast %lt3A_486 : f32 to vector<16x2048xf32>
    %lt3A_488 = arith.cmpf olt, %add3A_485, %lt3A_487 : vector<16x2048xf32>
    %convert_element_type3A_489 = arith.extui %lt3A_488 : vector<16x2048xi1> to vector<16x2048xi32>
    %add3A_490 = arith.addi %add3A_370, %convert_element_type3A_489 : vector<16x2048xi32>
    %get3A_491 = arith.constant 0 : index
    %get3A_492 = arith.constant 32768 : index
    %get3A_493 = vector.load %arg1[%get3A_491, %get3A_492] : memref<2x65536xf32, #tpu.memory_space<vmem>>, vector<1x2048xf32>
    %get3A_494 = arith.constant 1 : index
    %get3A_495 = arith.constant 32768 : index
    %get3A_496 = vector.load %arg1[%get3A_494, %get3A_495] : memref<2x65536xf32, #tpu.memory_space<vmem>>, vector<1x2048xf32>
    %get3A_497 = arith.constant 0 : index
    %get3A_498 = arith.constant 32768 : index
    %get3A_499 = vector.load %arg2[%get3A_497, %get3A_498] : memref<2x65536xf32, #tpu.memory_space<vmem>>, vector<1x2048xf32>
    %get3A_500 = arith.constant 1 : index
    %get3A_501 = arith.constant 32768 : index
    %get3A_502 = vector.load %arg2[%get3A_500, %get3A_501] : memref<2x65536xf32, #tpu.memory_space<vmem>>, vector<1x2048xf32>
    %add3A_503 = vector.broadcast %get3A_493 : vector<1x2048xf32> to vector<16x2048xf32>
    %add3A_504 = vector.broadcast %get3A_2 : vector<16x1xf32> to vector<16x2048xf32>
    %add3A_505 = arith.addf %add3A_503, %add3A_504 : vector<16x2048xf32>
    %sub3A_506 = vector.broadcast %get3A_499 : vector<1x2048xf32> to vector<16x2048xf32>
    %sub3A_507 = arith.subf %add3A_505, %sub3A_506 : vector<16x2048xf32>
    %add3A_508 = vector.broadcast %get3A_496 : vector<1x2048xf32> to vector<16x2048xf32>
    %add3A_509 = vector.broadcast %get3A_7 : vector<16x1xf32> to vector<16x2048xf32>
    %add3A_510 = arith.addf %add3A_508, %add3A_509 : vector<16x2048xf32>
    %sub3A_511 = vector.broadcast %get3A_502 : vector<1x2048xf32> to vector<16x2048xf32>
    %sub3A_512 = arith.subf %add3A_510, %sub3A_511 : vector<16x2048xf32>
    %mul3A_513 = arith.mulf %sub3A_507, %sub3A_507 : vector<16x2048xf32>
    %mul3A_514 = arith.mulf %sub3A_512, %sub3A_512 : vector<16x2048xf32>
    %add3A_515 = arith.addf %mul3A_513, %mul3A_514 : vector<16x2048xf32>
    %lt3A_516 = arith.constant 2.500000e+01 : f32
    %lt3A_517 = vector.broadcast %lt3A_516 : f32 to vector<16x2048xf32>
    %lt3A_518 = arith.cmpf olt, %add3A_515, %lt3A_517 : vector<16x2048xf32>
    %convert_element_type3A_519 = arith.extui %lt3A_518 : vector<16x2048xi1> to vector<16x2048xi32>
    %add3A_520 = arith.addi %add3A_400, %convert_element_type3A_519 : vector<16x2048xi32>
    %get3A_521 = arith.constant 0 : index
    %get3A_522 = arith.constant 34816 : index
    %get3A_523 = vector.load %arg1[%get3A_521, %get3A_522] : memref<2x65536xf32, #tpu.memory_space<vmem>>, vector<1x2048xf32>
    %get3A_524 = arith.constant 1 : index
    %get3A_525 = arith.constant 34816 : index
    %get3A_526 = vector.load %arg1[%get3A_524, %get3A_525] : memref<2x65536xf32, #tpu.memory_space<vmem>>, vector<1x2048xf32>
    %get3A_527 = arith.constant 0 : index
    %get3A_528 = arith.constant 34816 : index
    %get3A_529 = vector.load %arg2[%get3A_527, %get3A_528] : memref<2x65536xf32, #tpu.memory_space<vmem>>, vector<1x2048xf32>
    %get3A_530 = arith.constant 1 : index
    %get3A_531 = arith.constant 34816 : index
    %get3A_532 = vector.load %arg2[%get3A_530, %get3A_531] : memref<2x65536xf32, #tpu.memory_space<vmem>>, vector<1x2048xf32>
    %add3A_533 = vector.broadcast %get3A_523 : vector<1x2048xf32> to vector<16x2048xf32>
    %add3A_534 = vector.broadcast %get3A_2 : vector<16x1xf32> to vector<16x2048xf32>
    %add3A_535 = arith.addf %add3A_533, %add3A_534 : vector<16x2048xf32>
    %sub3A_536 = vector.broadcast %get3A_529 : vector<1x2048xf32> to vector<16x2048xf32>
    %sub3A_537 = arith.subf %add3A_535, %sub3A_536 : vector<16x2048xf32>
    %add3A_538 = vector.broadcast %get3A_526 : vector<1x2048xf32> to vector<16x2048xf32>
    %add3A_539 = vector.broadcast %get3A_7 : vector<16x1xf32> to vector<16x2048xf32>
    %add3A_540 = arith.addf %add3A_538, %add3A_539 : vector<16x2048xf32>
    %sub3A_541 = vector.broadcast %get3A_532 : vector<1x2048xf32> to vector<16x2048xf32>
    %sub3A_542 = arith.subf %add3A_540, %sub3A_541 : vector<16x2048xf32>
    %mul3A_543 = arith.mulf %sub3A_537, %sub3A_537 : vector<16x2048xf32>
    %mul3A_544 = arith.mulf %sub3A_542, %sub3A_542 : vector<16x2048xf32>
    %add3A_545 = arith.addf %mul3A_543, %mul3A_544 : vector<16x2048xf32>
    %lt3A_546 = arith.constant 2.500000e+01 : f32
    %lt3A_547 = vector.broadcast %lt3A_546 : f32 to vector<16x2048xf32>
    %lt3A_548 = arith.cmpf olt, %add3A_545, %lt3A_547 : vector<16x2048xf32>
    %convert_element_type3A_549 = arith.extui %lt3A_548 : vector<16x2048xi1> to vector<16x2048xi32>
    %add3A_550 = arith.addi %add3A_430, %convert_element_type3A_549 : vector<16x2048xi32>
    %get3A_551 = arith.constant 0 : index
    %get3A_552 = arith.constant 36864 : index
    %get3A_553 = vector.load %arg1[%get3A_551, %get3A_552] : memref<2x65536xf32, #tpu.memory_space<vmem>>, vector<1x2048xf32>
    %get3A_554 = arith.constant 1 : index
    %get3A_555 = arith.constant 36864 : index
    %get3A_556 = vector.load %arg1[%get3A_554, %get3A_555] : memref<2x65536xf32, #tpu.memory_space<vmem>>, vector<1x2048xf32>
    %get3A_557 = arith.constant 0 : index
    %get3A_558 = arith.constant 36864 : index
    %get3A_559 = vector.load %arg2[%get3A_557, %get3A_558] : memref<2x65536xf32, #tpu.memory_space<vmem>>, vector<1x2048xf32>
    %get3A_560 = arith.constant 1 : index
    %get3A_561 = arith.constant 36864 : index
    %get3A_562 = vector.load %arg2[%get3A_560, %get3A_561] : memref<2x65536xf32, #tpu.memory_space<vmem>>, vector<1x2048xf32>
    %add3A_563 = vector.broadcast %get3A_553 : vector<1x2048xf32> to vector<16x2048xf32>
    %add3A_564 = vector.broadcast %get3A_2 : vector<16x1xf32> to vector<16x2048xf32>
    %add3A_565 = arith.addf %add3A_563, %add3A_564 : vector<16x2048xf32>
    %sub3A_566 = vector.broadcast %get3A_559 : vector<1x2048xf32> to vector<16x2048xf32>
    %sub3A_567 = arith.subf %add3A_565, %sub3A_566 : vector<16x2048xf32>
    %add3A_568 = vector.broadcast %get3A_556 : vector<1x2048xf32> to vector<16x2048xf32>
    %add3A_569 = vector.broadcast %get3A_7 : vector<16x1xf32> to vector<16x2048xf32>
    %add3A_570 = arith.addf %add3A_568, %add3A_569 : vector<16x2048xf32>
    %sub3A_571 = vector.broadcast %get3A_562 : vector<1x2048xf32> to vector<16x2048xf32>
    %sub3A_572 = arith.subf %add3A_570, %sub3A_571 : vector<16x2048xf32>
    %mul3A_573 = arith.mulf %sub3A_567, %sub3A_567 : vector<16x2048xf32>
    %mul3A_574 = arith.mulf %sub3A_572, %sub3A_572 : vector<16x2048xf32>
    %add3A_575 = arith.addf %mul3A_573, %mul3A_574 : vector<16x2048xf32>
    %lt3A_576 = arith.constant 2.500000e+01 : f32
    %lt3A_577 = vector.broadcast %lt3A_576 : f32 to vector<16x2048xf32>
    %lt3A_578 = arith.cmpf olt, %add3A_575, %lt3A_577 : vector<16x2048xf32>
    %convert_element_type3A_579 = arith.extui %lt3A_578 : vector<16x2048xi1> to vector<16x2048xi32>
    %add3A_580 = arith.addi %add3A_460, %convert_element_type3A_579 : vector<16x2048xi32>
    %get3A_581 = arith.constant 0 : index
    %get3A_582 = arith.constant 38912 : index
    %get3A_583 = vector.load %arg1[%get3A_581, %get3A_582] : memref<2x65536xf32, #tpu.memory_space<vmem>>, vector<1x2048xf32>
    %get3A_584 = arith.constant 1 : index
    %get3A_585 = arith.constant 38912 : index
    %get3A_586 = vector.load %arg1[%get3A_584, %get3A_585] : memref<2x65536xf32, #tpu.memory_space<vmem>>, vector<1x2048xf32>
    %get3A_587 = arith.constant 0 : index
    %get3A_588 = arith.constant 38912 : index
    %get3A_589 = vector.load %arg2[%get3A_587, %get3A_588] : memref<2x65536xf32, #tpu.memory_space<vmem>>, vector<1x2048xf32>
    %get3A_590 = arith.constant 1 : index
    %get3A_591 = arith.constant 38912 : index
    %get3A_592 = vector.load %arg2[%get3A_590, %get3A_591] : memref<2x65536xf32, #tpu.memory_space<vmem>>, vector<1x2048xf32>
    %add3A_593 = vector.broadcast %get3A_583 : vector<1x2048xf32> to vector<16x2048xf32>
    %add3A_594 = vector.broadcast %get3A_2 : vector<16x1xf32> to vector<16x2048xf32>
    %add3A_595 = arith.addf %add3A_593, %add3A_594 : vector<16x2048xf32>
    %sub3A_596 = vector.broadcast %get3A_589 : vector<1x2048xf32> to vector<16x2048xf32>
    %sub3A_597 = arith.subf %add3A_595, %sub3A_596 : vector<16x2048xf32>
    %add3A_598 = vector.broadcast %get3A_586 : vector<1x2048xf32> to vector<16x2048xf32>
    %add3A_599 = vector.broadcast %get3A_7 : vector<16x1xf32> to vector<16x2048xf32>
    %add3A_600 = arith.addf %add3A_598, %add3A_599 : vector<16x2048xf32>
    %sub3A_601 = vector.broadcast %get3A_592 : vector<1x2048xf32> to vector<16x2048xf32>
    %sub3A_602 = arith.subf %add3A_600, %sub3A_601 : vector<16x2048xf32>
    %mul3A_603 = arith.mulf %sub3A_597, %sub3A_597 : vector<16x2048xf32>
    %mul3A_604 = arith.mulf %sub3A_602, %sub3A_602 : vector<16x2048xf32>
    %add3A_605 = arith.addf %mul3A_603, %mul3A_604 : vector<16x2048xf32>
    %lt3A_606 = arith.constant 2.500000e+01 : f32
    %lt3A_607 = vector.broadcast %lt3A_606 : f32 to vector<16x2048xf32>
    %lt3A_608 = arith.cmpf olt, %add3A_605, %lt3A_607 : vector<16x2048xf32>
    %convert_element_type3A_609 = arith.extui %lt3A_608 : vector<16x2048xi1> to vector<16x2048xi32>
    %add3A_610 = arith.addi %add3A_490, %convert_element_type3A_609 : vector<16x2048xi32>
    %get3A_611 = arith.constant 0 : index
    %get3A_612 = arith.constant 40960 : index
    %get3A_613 = vector.load %arg1[%get3A_611, %get3A_612] : memref<2x65536xf32, #tpu.memory_space<vmem>>, vector<1x2048xf32>
    %get3A_614 = arith.constant 1 : index
    %get3A_615 = arith.constant 40960 : index
    %get3A_616 = vector.load %arg1[%get3A_614, %get3A_615] : memref<2x65536xf32, #tpu.memory_space<vmem>>, vector<1x2048xf32>
    %get3A_617 = arith.constant 0 : index
    %get3A_618 = arith.constant 40960 : index
    %get3A_619 = vector.load %arg2[%get3A_617, %get3A_618] : memref<2x65536xf32, #tpu.memory_space<vmem>>, vector<1x2048xf32>
    %get3A_620 = arith.constant 1 : index
    %get3A_621 = arith.constant 40960 : index
    %get3A_622 = vector.load %arg2[%get3A_620, %get3A_621] : memref<2x65536xf32, #tpu.memory_space<vmem>>, vector<1x2048xf32>
    %add3A_623 = vector.broadcast %get3A_613 : vector<1x2048xf32> to vector<16x2048xf32>
    %add3A_624 = vector.broadcast %get3A_2 : vector<16x1xf32> to vector<16x2048xf32>
    %add3A_625 = arith.addf %add3A_623, %add3A_624 : vector<16x2048xf32>
    %sub3A_626 = vector.broadcast %get3A_619 : vector<1x2048xf32> to vector<16x2048xf32>
    %sub3A_627 = arith.subf %add3A_625, %sub3A_626 : vector<16x2048xf32>
    %add3A_628 = vector.broadcast %get3A_616 : vector<1x2048xf32> to vector<16x2048xf32>
    %add3A_629 = vector.broadcast %get3A_7 : vector<16x1xf32> to vector<16x2048xf32>
    %add3A_630 = arith.addf %add3A_628, %add3A_629 : vector<16x2048xf32>
    %sub3A_631 = vector.broadcast %get3A_622 : vector<1x2048xf32> to vector<16x2048xf32>
    %sub3A_632 = arith.subf %add3A_630, %sub3A_631 : vector<16x2048xf32>
    %mul3A_633 = arith.mulf %sub3A_627, %sub3A_627 : vector<16x2048xf32>
    %mul3A_634 = arith.mulf %sub3A_632, %sub3A_632 : vector<16x2048xf32>
    %add3A_635 = arith.addf %mul3A_633, %mul3A_634 : vector<16x2048xf32>
    %lt3A_636 = arith.constant 2.500000e+01 : f32
    %lt3A_637 = vector.broadcast %lt3A_636 : f32 to vector<16x2048xf32>
    %lt3A_638 = arith.cmpf olt, %add3A_635, %lt3A_637 : vector<16x2048xf32>
    %convert_element_type3A_639 = arith.extui %lt3A_638 : vector<16x2048xi1> to vector<16x2048xi32>
    %add3A_640 = arith.addi %add3A_520, %convert_element_type3A_639 : vector<16x2048xi32>
    %get3A_641 = arith.constant 0 : index
    %get3A_642 = arith.constant 43008 : index
    %get3A_643 = vector.load %arg1[%get3A_641, %get3A_642] : memref<2x65536xf32, #tpu.memory_space<vmem>>, vector<1x2048xf32>
    %get3A_644 = arith.constant 1 : index
    %get3A_645 = arith.constant 43008 : index
    %get3A_646 = vector.load %arg1[%get3A_644, %get3A_645] : memref<2x65536xf32, #tpu.memory_space<vmem>>, vector<1x2048xf32>
    %get3A_647 = arith.constant 0 : index
    %get3A_648 = arith.constant 43008 : index
    %get3A_649 = vector.load %arg2[%get3A_647, %get3A_648] : memref<2x65536xf32, #tpu.memory_space<vmem>>, vector<1x2048xf32>
    %get3A_650 = arith.constant 1 : index
    %get3A_651 = arith.constant 43008 : index
    %get3A_652 = vector.load %arg2[%get3A_650, %get3A_651] : memref<2x65536xf32, #tpu.memory_space<vmem>>, vector<1x2048xf32>
    %add3A_653 = vector.broadcast %get3A_643 : vector<1x2048xf32> to vector<16x2048xf32>
    %add3A_654 = vector.broadcast %get3A_2 : vector<16x1xf32> to vector<16x2048xf32>
    %add3A_655 = arith.addf %add3A_653, %add3A_654 : vector<16x2048xf32>
    %sub3A_656 = vector.broadcast %get3A_649 : vector<1x2048xf32> to vector<16x2048xf32>
    %sub3A_657 = arith.subf %add3A_655, %sub3A_656 : vector<16x2048xf32>
    %add3A_658 = vector.broadcast %get3A_646 : vector<1x2048xf32> to vector<16x2048xf32>
    %add3A_659 = vector.broadcast %get3A_7 : vector<16x1xf32> to vector<16x2048xf32>
    %add3A_660 = arith.addf %add3A_658, %add3A_659 : vector<16x2048xf32>
    %sub3A_661 = vector.broadcast %get3A_652 : vector<1x2048xf32> to vector<16x2048xf32>
    %sub3A_662 = arith.subf %add3A_660, %sub3A_661 : vector<16x2048xf32>
    %mul3A_663 = arith.mulf %sub3A_657, %sub3A_657 : vector<16x2048xf32>
    %mul3A_664 = arith.mulf %sub3A_662, %sub3A_662 : vector<16x2048xf32>
    %add3A_665 = arith.addf %mul3A_663, %mul3A_664 : vector<16x2048xf32>
    %lt3A_666 = arith.constant 2.500000e+01 : f32
    %lt3A_667 = vector.broadcast %lt3A_666 : f32 to vector<16x2048xf32>
    %lt3A_668 = arith.cmpf olt, %add3A_665, %lt3A_667 : vector<16x2048xf32>
    %convert_element_type3A_669 = arith.extui %lt3A_668 : vector<16x2048xi1> to vector<16x2048xi32>
    %add3A_670 = arith.addi %add3A_550, %convert_element_type3A_669 : vector<16x2048xi32>
    %get3A_671 = arith.constant 0 : index
    %get3A_672 = arith.constant 45056 : index
    %get3A_673 = vector.load %arg1[%get3A_671, %get3A_672] : memref<2x65536xf32, #tpu.memory_space<vmem>>, vector<1x2048xf32>
    %get3A_674 = arith.constant 1 : index
    %get3A_675 = arith.constant 45056 : index
    %get3A_676 = vector.load %arg1[%get3A_674, %get3A_675] : memref<2x65536xf32, #tpu.memory_space<vmem>>, vector<1x2048xf32>
    %get3A_677 = arith.constant 0 : index
    %get3A_678 = arith.constant 45056 : index
    %get3A_679 = vector.load %arg2[%get3A_677, %get3A_678] : memref<2x65536xf32, #tpu.memory_space<vmem>>, vector<1x2048xf32>
    %get3A_680 = arith.constant 1 : index
    %get3A_681 = arith.constant 45056 : index
    %get3A_682 = vector.load %arg2[%get3A_680, %get3A_681] : memref<2x65536xf32, #tpu.memory_space<vmem>>, vector<1x2048xf32>
    %add3A_683 = vector.broadcast %get3A_673 : vector<1x2048xf32> to vector<16x2048xf32>
    %add3A_684 = vector.broadcast %get3A_2 : vector<16x1xf32> to vector<16x2048xf32>
    %add3A_685 = arith.addf %add3A_683, %add3A_684 : vector<16x2048xf32>
    %sub3A_686 = vector.broadcast %get3A_679 : vector<1x2048xf32> to vector<16x2048xf32>
    %sub3A_687 = arith.subf %add3A_685, %sub3A_686 : vector<16x2048xf32>
    %add3A_688 = vector.broadcast %get3A_676 : vector<1x2048xf32> to vector<16x2048xf32>
    %add3A_689 = vector.broadcast %get3A_7 : vector<16x1xf32> to vector<16x2048xf32>
    %add3A_690 = arith.addf %add3A_688, %add3A_689 : vector<16x2048xf32>
    %sub3A_691 = vector.broadcast %get3A_682 : vector<1x2048xf32> to vector<16x2048xf32>
    %sub3A_692 = arith.subf %add3A_690, %sub3A_691 : vector<16x2048xf32>
    %mul3A_693 = arith.mulf %sub3A_687, %sub3A_687 : vector<16x2048xf32>
    %mul3A_694 = arith.mulf %sub3A_692, %sub3A_692 : vector<16x2048xf32>
    %add3A_695 = arith.addf %mul3A_693, %mul3A_694 : vector<16x2048xf32>
    %lt3A_696 = arith.constant 2.500000e+01 : f32
    %lt3A_697 = vector.broadcast %lt3A_696 : f32 to vector<16x2048xf32>
    %lt3A_698 = arith.cmpf olt, %add3A_695, %lt3A_697 : vector<16x2048xf32>
    %convert_element_type3A_699 = arith.extui %lt3A_698 : vector<16x2048xi1> to vector<16x2048xi32>
    %add3A_700 = arith.addi %add3A_580, %convert_element_type3A_699 : vector<16x2048xi32>
    %get3A_701 = arith.constant 0 : index
    %get3A_702 = arith.constant 47104 : index
    %get3A_703 = vector.load %arg1[%get3A_701, %get3A_702] : memref<2x65536xf32, #tpu.memory_space<vmem>>, vector<1x2048xf32>
    %get3A_704 = arith.constant 1 : index
    %get3A_705 = arith.constant 47104 : index
    %get3A_706 = vector.load %arg1[%get3A_704, %get3A_705] : memref<2x65536xf32, #tpu.memory_space<vmem>>, vector<1x2048xf32>
    %get3A_707 = arith.constant 0 : index
    %get3A_708 = arith.constant 47104 : index
    %get3A_709 = vector.load %arg2[%get3A_707, %get3A_708] : memref<2x65536xf32, #tpu.memory_space<vmem>>, vector<1x2048xf32>
    %get3A_710 = arith.constant 1 : index
    %get3A_711 = arith.constant 47104 : index
    %get3A_712 = vector.load %arg2[%get3A_710, %get3A_711] : memref<2x65536xf32, #tpu.memory_space<vmem>>, vector<1x2048xf32>
    %add3A_713 = vector.broadcast %get3A_703 : vector<1x2048xf32> to vector<16x2048xf32>
    %add3A_714 = vector.broadcast %get3A_2 : vector<16x1xf32> to vector<16x2048xf32>
    %add3A_715 = arith.addf %add3A_713, %add3A_714 : vector<16x2048xf32>
    %sub3A_716 = vector.broadcast %get3A_709 : vector<1x2048xf32> to vector<16x2048xf32>
    %sub3A_717 = arith.subf %add3A_715, %sub3A_716 : vector<16x2048xf32>
    %add3A_718 = vector.broadcast %get3A_706 : vector<1x2048xf32> to vector<16x2048xf32>
    %add3A_719 = vector.broadcast %get3A_7 : vector<16x1xf32> to vector<16x2048xf32>
    %add3A_720 = arith.addf %add3A_718, %add3A_719 : vector<16x2048xf32>
    %sub3A_721 = vector.broadcast %get3A_712 : vector<1x2048xf32> to vector<16x2048xf32>
    %sub3A_722 = arith.subf %add3A_720, %sub3A_721 : vector<16x2048xf32>
    %mul3A_723 = arith.mulf %sub3A_717, %sub3A_717 : vector<16x2048xf32>
    %mul3A_724 = arith.mulf %sub3A_722, %sub3A_722 : vector<16x2048xf32>
    %add3A_725 = arith.addf %mul3A_723, %mul3A_724 : vector<16x2048xf32>
    %lt3A_726 = arith.constant 2.500000e+01 : f32
    %lt3A_727 = vector.broadcast %lt3A_726 : f32 to vector<16x2048xf32>
    %lt3A_728 = arith.cmpf olt, %add3A_725, %lt3A_727 : vector<16x2048xf32>
    %convert_element_type3A_729 = arith.extui %lt3A_728 : vector<16x2048xi1> to vector<16x2048xi32>
    %add3A_730 = arith.addi %add3A_610, %convert_element_type3A_729 : vector<16x2048xi32>
    %get3A_731 = arith.constant 0 : index
    %get3A_732 = arith.constant 49152 : index
    %get3A_733 = vector.load %arg1[%get3A_731, %get3A_732] : memref<2x65536xf32, #tpu.memory_space<vmem>>, vector<1x2048xf32>
    %get3A_734 = arith.constant 1 : index
    %get3A_735 = arith.constant 49152 : index
    %get3A_736 = vector.load %arg1[%get3A_734, %get3A_735] : memref<2x65536xf32, #tpu.memory_space<vmem>>, vector<1x2048xf32>
    %get3A_737 = arith.constant 0 : index
    %get3A_738 = arith.constant 49152 : index
    %get3A_739 = vector.load %arg2[%get3A_737, %get3A_738] : memref<2x65536xf32, #tpu.memory_space<vmem>>, vector<1x2048xf32>
    %get3A_740 = arith.constant 1 : index
    %get3A_741 = arith.constant 49152 : index
    %get3A_742 = vector.load %arg2[%get3A_740, %get3A_741] : memref<2x65536xf32, #tpu.memory_space<vmem>>, vector<1x2048xf32>
    %add3A_743 = vector.broadcast %get3A_733 : vector<1x2048xf32> to vector<16x2048xf32>
    %add3A_744 = vector.broadcast %get3A_2 : vector<16x1xf32> to vector<16x2048xf32>
    %add3A_745 = arith.addf %add3A_743, %add3A_744 : vector<16x2048xf32>
    %sub3A_746 = vector.broadcast %get3A_739 : vector<1x2048xf32> to vector<16x2048xf32>
    %sub3A_747 = arith.subf %add3A_745, %sub3A_746 : vector<16x2048xf32>
    %add3A_748 = vector.broadcast %get3A_736 : vector<1x2048xf32> to vector<16x2048xf32>
    %add3A_749 = vector.broadcast %get3A_7 : vector<16x1xf32> to vector<16x2048xf32>
    %add3A_750 = arith.addf %add3A_748, %add3A_749 : vector<16x2048xf32>
    %sub3A_751 = vector.broadcast %get3A_742 : vector<1x2048xf32> to vector<16x2048xf32>
    %sub3A_752 = arith.subf %add3A_750, %sub3A_751 : vector<16x2048xf32>
    %mul3A_753 = arith.mulf %sub3A_747, %sub3A_747 : vector<16x2048xf32>
    %mul3A_754 = arith.mulf %sub3A_752, %sub3A_752 : vector<16x2048xf32>
    %add3A_755 = arith.addf %mul3A_753, %mul3A_754 : vector<16x2048xf32>
    %lt3A_756 = arith.constant 2.500000e+01 : f32
    %lt3A_757 = vector.broadcast %lt3A_756 : f32 to vector<16x2048xf32>
    %lt3A_758 = arith.cmpf olt, %add3A_755, %lt3A_757 : vector<16x2048xf32>
    %convert_element_type3A_759 = arith.extui %lt3A_758 : vector<16x2048xi1> to vector<16x2048xi32>
    %add3A_760 = arith.addi %add3A_640, %convert_element_type3A_759 : vector<16x2048xi32>
    %get3A_761 = arith.constant 0 : index
    %get3A_762 = arith.constant 51200 : index
    %get3A_763 = vector.load %arg1[%get3A_761, %get3A_762] : memref<2x65536xf32, #tpu.memory_space<vmem>>, vector<1x2048xf32>
    %get3A_764 = arith.constant 1 : index
    %get3A_765 = arith.constant 51200 : index
    %get3A_766 = vector.load %arg1[%get3A_764, %get3A_765] : memref<2x65536xf32, #tpu.memory_space<vmem>>, vector<1x2048xf32>
    %get3A_767 = arith.constant 0 : index
    %get3A_768 = arith.constant 51200 : index
    %get3A_769 = vector.load %arg2[%get3A_767, %get3A_768] : memref<2x65536xf32, #tpu.memory_space<vmem>>, vector<1x2048xf32>
    %get3A_770 = arith.constant 1 : index
    %get3A_771 = arith.constant 51200 : index
    %get3A_772 = vector.load %arg2[%get3A_770, %get3A_771] : memref<2x65536xf32, #tpu.memory_space<vmem>>, vector<1x2048xf32>
    %add3A_773 = vector.broadcast %get3A_763 : vector<1x2048xf32> to vector<16x2048xf32>
    %add3A_774 = vector.broadcast %get3A_2 : vector<16x1xf32> to vector<16x2048xf32>
    %add3A_775 = arith.addf %add3A_773, %add3A_774 : vector<16x2048xf32>
    %sub3A_776 = vector.broadcast %get3A_769 : vector<1x2048xf32> to vector<16x2048xf32>
    %sub3A_777 = arith.subf %add3A_775, %sub3A_776 : vector<16x2048xf32>
    %add3A_778 = vector.broadcast %get3A_766 : vector<1x2048xf32> to vector<16x2048xf32>
    %add3A_779 = vector.broadcast %get3A_7 : vector<16x1xf32> to vector<16x2048xf32>
    %add3A_780 = arith.addf %add3A_778, %add3A_779 : vector<16x2048xf32>
    %sub3A_781 = vector.broadcast %get3A_772 : vector<1x2048xf32> to vector<16x2048xf32>
    %sub3A_782 = arith.subf %add3A_780, %sub3A_781 : vector<16x2048xf32>
    %mul3A_783 = arith.mulf %sub3A_777, %sub3A_777 : vector<16x2048xf32>
    %mul3A_784 = arith.mulf %sub3A_782, %sub3A_782 : vector<16x2048xf32>
    %add3A_785 = arith.addf %mul3A_783, %mul3A_784 : vector<16x2048xf32>
    %lt3A_786 = arith.constant 2.500000e+01 : f32
    %lt3A_787 = vector.broadcast %lt3A_786 : f32 to vector<16x2048xf32>
    %lt3A_788 = arith.cmpf olt, %add3A_785, %lt3A_787 : vector<16x2048xf32>
    %convert_element_type3A_789 = arith.extui %lt3A_788 : vector<16x2048xi1> to vector<16x2048xi32>
    %add3A_790 = arith.addi %add3A_670, %convert_element_type3A_789 : vector<16x2048xi32>
    %get3A_791 = arith.constant 0 : index
    %get3A_792 = arith.constant 53248 : index
    %get3A_793 = vector.load %arg1[%get3A_791, %get3A_792] : memref<2x65536xf32, #tpu.memory_space<vmem>>, vector<1x2048xf32>
    %get3A_794 = arith.constant 1 : index
    %get3A_795 = arith.constant 53248 : index
    %get3A_796 = vector.load %arg1[%get3A_794, %get3A_795] : memref<2x65536xf32, #tpu.memory_space<vmem>>, vector<1x2048xf32>
    %get3A_797 = arith.constant 0 : index
    %get3A_798 = arith.constant 53248 : index
    %get3A_799 = vector.load %arg2[%get3A_797, %get3A_798] : memref<2x65536xf32, #tpu.memory_space<vmem>>, vector<1x2048xf32>
    %get3A_800 = arith.constant 1 : index
    %get3A_801 = arith.constant 53248 : index
    %get3A_802 = vector.load %arg2[%get3A_800, %get3A_801] : memref<2x65536xf32, #tpu.memory_space<vmem>>, vector<1x2048xf32>
    %add3A_803 = vector.broadcast %get3A_793 : vector<1x2048xf32> to vector<16x2048xf32>
    %add3A_804 = vector.broadcast %get3A_2 : vector<16x1xf32> to vector<16x2048xf32>
    %add3A_805 = arith.addf %add3A_803, %add3A_804 : vector<16x2048xf32>
    %sub3A_806 = vector.broadcast %get3A_799 : vector<1x2048xf32> to vector<16x2048xf32>
    %sub3A_807 = arith.subf %add3A_805, %sub3A_806 : vector<16x2048xf32>
    %add3A_808 = vector.broadcast %get3A_796 : vector<1x2048xf32> to vector<16x2048xf32>
    %add3A_809 = vector.broadcast %get3A_7 : vector<16x1xf32> to vector<16x2048xf32>
    %add3A_810 = arith.addf %add3A_808, %add3A_809 : vector<16x2048xf32>
    %sub3A_811 = vector.broadcast %get3A_802 : vector<1x2048xf32> to vector<16x2048xf32>
    %sub3A_812 = arith.subf %add3A_810, %sub3A_811 : vector<16x2048xf32>
    %mul3A_813 = arith.mulf %sub3A_807, %sub3A_807 : vector<16x2048xf32>
    %mul3A_814 = arith.mulf %sub3A_812, %sub3A_812 : vector<16x2048xf32>
    %add3A_815 = arith.addf %mul3A_813, %mul3A_814 : vector<16x2048xf32>
    %lt3A_816 = arith.constant 2.500000e+01 : f32
    %lt3A_817 = vector.broadcast %lt3A_816 : f32 to vector<16x2048xf32>
    %lt3A_818 = arith.cmpf olt, %add3A_815, %lt3A_817 : vector<16x2048xf32>
    %convert_element_type3A_819 = arith.extui %lt3A_818 : vector<16x2048xi1> to vector<16x2048xi32>
    %add3A_820 = arith.addi %add3A_700, %convert_element_type3A_819 : vector<16x2048xi32>
    %get3A_821 = arith.constant 0 : index
    %get3A_822 = arith.constant 55296 : index
    %get3A_823 = vector.load %arg1[%get3A_821, %get3A_822] : memref<2x65536xf32, #tpu.memory_space<vmem>>, vector<1x2048xf32>
    %get3A_824 = arith.constant 1 : index
    %get3A_825 = arith.constant 55296 : index
    %get3A_826 = vector.load %arg1[%get3A_824, %get3A_825] : memref<2x65536xf32, #tpu.memory_space<vmem>>, vector<1x2048xf32>
    %get3A_827 = arith.constant 0 : index
    %get3A_828 = arith.constant 55296 : index
    %get3A_829 = vector.load %arg2[%get3A_827, %get3A_828] : memref<2x65536xf32, #tpu.memory_space<vmem>>, vector<1x2048xf32>
    %get3A_830 = arith.constant 1 : index
    %get3A_831 = arith.constant 55296 : index
    %get3A_832 = vector.load %arg2[%get3A_830, %get3A_831] : memref<2x65536xf32, #tpu.memory_space<vmem>>, vector<1x2048xf32>
    %add3A_833 = vector.broadcast %get3A_823 : vector<1x2048xf32> to vector<16x2048xf32>
    %add3A_834 = vector.broadcast %get3A_2 : vector<16x1xf32> to vector<16x2048xf32>
    %add3A_835 = arith.addf %add3A_833, %add3A_834 : vector<16x2048xf32>
    %sub3A_836 = vector.broadcast %get3A_829 : vector<1x2048xf32> to vector<16x2048xf32>
    %sub3A_837 = arith.subf %add3A_835, %sub3A_836 : vector<16x2048xf32>
    %add3A_838 = vector.broadcast %get3A_826 : vector<1x2048xf32> to vector<16x2048xf32>
    %add3A_839 = vector.broadcast %get3A_7 : vector<16x1xf32> to vector<16x2048xf32>
    %add3A_840 = arith.addf %add3A_838, %add3A_839 : vector<16x2048xf32>
    %sub3A_841 = vector.broadcast %get3A_832 : vector<1x2048xf32> to vector<16x2048xf32>
    %sub3A_842 = arith.subf %add3A_840, %sub3A_841 : vector<16x2048xf32>
    %mul3A_843 = arith.mulf %sub3A_837, %sub3A_837 : vector<16x2048xf32>
    %mul3A_844 = arith.mulf %sub3A_842, %sub3A_842 : vector<16x2048xf32>
    %add3A_845 = arith.addf %mul3A_843, %mul3A_844 : vector<16x2048xf32>
    %lt3A_846 = arith.constant 2.500000e+01 : f32
    %lt3A_847 = vector.broadcast %lt3A_846 : f32 to vector<16x2048xf32>
    %lt3A_848 = arith.cmpf olt, %add3A_845, %lt3A_847 : vector<16x2048xf32>
    %convert_element_type3A_849 = arith.extui %lt3A_848 : vector<16x2048xi1> to vector<16x2048xi32>
    %add3A_850 = arith.addi %add3A_730, %convert_element_type3A_849 : vector<16x2048xi32>
    %get3A_851 = arith.constant 0 : index
    %get3A_852 = arith.constant 57344 : index
    %get3A_853 = vector.load %arg1[%get3A_851, %get3A_852] : memref<2x65536xf32, #tpu.memory_space<vmem>>, vector<1x2048xf32>
    %get3A_854 = arith.constant 1 : index
    %get3A_855 = arith.constant 57344 : index
    %get3A_856 = vector.load %arg1[%get3A_854, %get3A_855] : memref<2x65536xf32, #tpu.memory_space<vmem>>, vector<1x2048xf32>
    %get3A_857 = arith.constant 0 : index
    %get3A_858 = arith.constant 57344 : index
    %get3A_859 = vector.load %arg2[%get3A_857, %get3A_858] : memref<2x65536xf32, #tpu.memory_space<vmem>>, vector<1x2048xf32>
    %get3A_860 = arith.constant 1 : index
    %get3A_861 = arith.constant 57344 : index
    %get3A_862 = vector.load %arg2[%get3A_860, %get3A_861] : memref<2x65536xf32, #tpu.memory_space<vmem>>, vector<1x2048xf32>
    %add3A_863 = vector.broadcast %get3A_853 : vector<1x2048xf32> to vector<16x2048xf32>
    %add3A_864 = vector.broadcast %get3A_2 : vector<16x1xf32> to vector<16x2048xf32>
    %add3A_865 = arith.addf %add3A_863, %add3A_864 : vector<16x2048xf32>
    %sub3A_866 = vector.broadcast %get3A_859 : vector<1x2048xf32> to vector<16x2048xf32>
    %sub3A_867 = arith.subf %add3A_865, %sub3A_866 : vector<16x2048xf32>
    %add3A_868 = vector.broadcast %get3A_856 : vector<1x2048xf32> to vector<16x2048xf32>
    %add3A_869 = vector.broadcast %get3A_7 : vector<16x1xf32> to vector<16x2048xf32>
    %add3A_870 = arith.addf %add3A_868, %add3A_869 : vector<16x2048xf32>
    %sub3A_871 = vector.broadcast %get3A_862 : vector<1x2048xf32> to vector<16x2048xf32>
    %sub3A_872 = arith.subf %add3A_870, %sub3A_871 : vector<16x2048xf32>
    %mul3A_873 = arith.mulf %sub3A_867, %sub3A_867 : vector<16x2048xf32>
    %mul3A_874 = arith.mulf %sub3A_872, %sub3A_872 : vector<16x2048xf32>
    %add3A_875 = arith.addf %mul3A_873, %mul3A_874 : vector<16x2048xf32>
    %lt3A_876 = arith.constant 2.500000e+01 : f32
    %lt3A_877 = vector.broadcast %lt3A_876 : f32 to vector<16x2048xf32>
    %lt3A_878 = arith.cmpf olt, %add3A_875, %lt3A_877 : vector<16x2048xf32>
    %convert_element_type3A_879 = arith.extui %lt3A_878 : vector<16x2048xi1> to vector<16x2048xi32>
    %add3A_880 = arith.addi %add3A_760, %convert_element_type3A_879 : vector<16x2048xi32>
    %get3A_881 = arith.constant 0 : index
    %get3A_882 = arith.constant 59392 : index
    %get3A_883 = vector.load %arg1[%get3A_881, %get3A_882] : memref<2x65536xf32, #tpu.memory_space<vmem>>, vector<1x2048xf32>
    %get3A_884 = arith.constant 1 : index
    %get3A_885 = arith.constant 59392 : index
    %get3A_886 = vector.load %arg1[%get3A_884, %get3A_885] : memref<2x65536xf32, #tpu.memory_space<vmem>>, vector<1x2048xf32>
    %get3A_887 = arith.constant 0 : index
    %get3A_888 = arith.constant 59392 : index
    %get3A_889 = vector.load %arg2[%get3A_887, %get3A_888] : memref<2x65536xf32, #tpu.memory_space<vmem>>, vector<1x2048xf32>
    %get3A_890 = arith.constant 1 : index
    %get3A_891 = arith.constant 59392 : index
    %get3A_892 = vector.load %arg2[%get3A_890, %get3A_891] : memref<2x65536xf32, #tpu.memory_space<vmem>>, vector<1x2048xf32>
    %add3A_893 = vector.broadcast %get3A_883 : vector<1x2048xf32> to vector<16x2048xf32>
    %add3A_894 = vector.broadcast %get3A_2 : vector<16x1xf32> to vector<16x2048xf32>
    %add3A_895 = arith.addf %add3A_893, %add3A_894 : vector<16x2048xf32>
    %sub3A_896 = vector.broadcast %get3A_889 : vector<1x2048xf32> to vector<16x2048xf32>
    %sub3A_897 = arith.subf %add3A_895, %sub3A_896 : vector<16x2048xf32>
    %add3A_898 = vector.broadcast %get3A_886 : vector<1x2048xf32> to vector<16x2048xf32>
    %add3A_899 = vector.broadcast %get3A_7 : vector<16x1xf32> to vector<16x2048xf32>
    %add3A_900 = arith.addf %add3A_898, %add3A_899 : vector<16x2048xf32>
    %sub3A_901 = vector.broadcast %get3A_892 : vector<1x2048xf32> to vector<16x2048xf32>
    %sub3A_902 = arith.subf %add3A_900, %sub3A_901 : vector<16x2048xf32>
    %mul3A_903 = arith.mulf %sub3A_897, %sub3A_897 : vector<16x2048xf32>
    %mul3A_904 = arith.mulf %sub3A_902, %sub3A_902 : vector<16x2048xf32>
    %add3A_905 = arith.addf %mul3A_903, %mul3A_904 : vector<16x2048xf32>
    %lt3A_906 = arith.constant 2.500000e+01 : f32
    %lt3A_907 = vector.broadcast %lt3A_906 : f32 to vector<16x2048xf32>
    %lt3A_908 = arith.cmpf olt, %add3A_905, %lt3A_907 : vector<16x2048xf32>
    %convert_element_type3A_909 = arith.extui %lt3A_908 : vector<16x2048xi1> to vector<16x2048xi32>
    %add3A_910 = arith.addi %add3A_790, %convert_element_type3A_909 : vector<16x2048xi32>
    %get3A_911 = arith.constant 0 : index
    %get3A_912 = arith.constant 61440 : index
    %get3A_913 = vector.load %arg1[%get3A_911, %get3A_912] : memref<2x65536xf32, #tpu.memory_space<vmem>>, vector<1x2048xf32>
    %get3A_914 = arith.constant 1 : index
    %get3A_915 = arith.constant 61440 : index
    %get3A_916 = vector.load %arg1[%get3A_914, %get3A_915] : memref<2x65536xf32, #tpu.memory_space<vmem>>, vector<1x2048xf32>
    %get3A_917 = arith.constant 0 : index
    %get3A_918 = arith.constant 61440 : index
    %get3A_919 = vector.load %arg2[%get3A_917, %get3A_918] : memref<2x65536xf32, #tpu.memory_space<vmem>>, vector<1x2048xf32>
    %get3A_920 = arith.constant 1 : index
    %get3A_921 = arith.constant 61440 : index
    %get3A_922 = vector.load %arg2[%get3A_920, %get3A_921] : memref<2x65536xf32, #tpu.memory_space<vmem>>, vector<1x2048xf32>
    %add3A_923 = vector.broadcast %get3A_913 : vector<1x2048xf32> to vector<16x2048xf32>
    %add3A_924 = vector.broadcast %get3A_2 : vector<16x1xf32> to vector<16x2048xf32>
    %add3A_925 = arith.addf %add3A_923, %add3A_924 : vector<16x2048xf32>
    %sub3A_926 = vector.broadcast %get3A_919 : vector<1x2048xf32> to vector<16x2048xf32>
    %sub3A_927 = arith.subf %add3A_925, %sub3A_926 : vector<16x2048xf32>
    %add3A_928 = vector.broadcast %get3A_916 : vector<1x2048xf32> to vector<16x2048xf32>
    %add3A_929 = vector.broadcast %get3A_7 : vector<16x1xf32> to vector<16x2048xf32>
    %add3A_930 = arith.addf %add3A_928, %add3A_929 : vector<16x2048xf32>
    %sub3A_931 = vector.broadcast %get3A_922 : vector<1x2048xf32> to vector<16x2048xf32>
    %sub3A_932 = arith.subf %add3A_930, %sub3A_931 : vector<16x2048xf32>
    %mul3A_933 = arith.mulf %sub3A_927, %sub3A_927 : vector<16x2048xf32>
    %mul3A_934 = arith.mulf %sub3A_932, %sub3A_932 : vector<16x2048xf32>
    %add3A_935 = arith.addf %mul3A_933, %mul3A_934 : vector<16x2048xf32>
    %lt3A_936 = arith.constant 2.500000e+01 : f32
    %lt3A_937 = vector.broadcast %lt3A_936 : f32 to vector<16x2048xf32>
    %lt3A_938 = arith.cmpf olt, %add3A_935, %lt3A_937 : vector<16x2048xf32>
    %convert_element_type3A_939 = arith.extui %lt3A_938 : vector<16x2048xi1> to vector<16x2048xi32>
    %add3A_940 = arith.addi %add3A_820, %convert_element_type3A_939 : vector<16x2048xi32>
    %get3A_941 = arith.constant 0 : index
    %get3A_942 = arith.constant 63488 : index
    %get3A_943 = vector.load %arg1[%get3A_941, %get3A_942] : memref<2x65536xf32, #tpu.memory_space<vmem>>, vector<1x2048xf32>
    %get3A_944 = arith.constant 1 : index
    %get3A_945 = arith.constant 63488 : index
    %get3A_946 = vector.load %arg1[%get3A_944, %get3A_945] : memref<2x65536xf32, #tpu.memory_space<vmem>>, vector<1x2048xf32>
    %get3A_947 = arith.constant 0 : index
    %get3A_948 = arith.constant 63488 : index
    %get3A_949 = vector.load %arg2[%get3A_947, %get3A_948] : memref<2x65536xf32, #tpu.memory_space<vmem>>, vector<1x2048xf32>
    %get3A_950 = arith.constant 1 : index
    %get3A_951 = arith.constant 63488 : index
    %get3A_952 = vector.load %arg2[%get3A_950, %get3A_951] : memref<2x65536xf32, #tpu.memory_space<vmem>>, vector<1x2048xf32>
    %add3A_953 = vector.broadcast %get3A_943 : vector<1x2048xf32> to vector<16x2048xf32>
    %add3A_954 = vector.broadcast %get3A_2 : vector<16x1xf32> to vector<16x2048xf32>
    %add3A_955 = arith.addf %add3A_953, %add3A_954 : vector<16x2048xf32>
    %sub3A_956 = vector.broadcast %get3A_949 : vector<1x2048xf32> to vector<16x2048xf32>
    %sub3A_957 = arith.subf %add3A_955, %sub3A_956 : vector<16x2048xf32>
    %add3A_958 = vector.broadcast %get3A_946 : vector<1x2048xf32> to vector<16x2048xf32>
    %add3A_959 = vector.broadcast %get3A_7 : vector<16x1xf32> to vector<16x2048xf32>
    %add3A_960 = arith.addf %add3A_958, %add3A_959 : vector<16x2048xf32>
    %sub3A_961 = vector.broadcast %get3A_952 : vector<1x2048xf32> to vector<16x2048xf32>
    %sub3A_962 = arith.subf %add3A_960, %sub3A_961 : vector<16x2048xf32>
    %mul3A_963 = arith.mulf %sub3A_957, %sub3A_957 : vector<16x2048xf32>
    %mul3A_964 = arith.mulf %sub3A_962, %sub3A_962 : vector<16x2048xf32>
    %add3A_965 = arith.addf %mul3A_963, %mul3A_964 : vector<16x2048xf32>
    %lt3A_966 = arith.constant 2.500000e+01 : f32
    %lt3A_967 = vector.broadcast %lt3A_966 : f32 to vector<16x2048xf32>
    %lt3A_968 = arith.cmpf olt, %add3A_965, %lt3A_967 : vector<16x2048xf32>
    %convert_element_type3A_969 = arith.extui %lt3A_968 : vector<16x2048xi1> to vector<16x2048xi32>
    %add3A_970 = arith.addi %add3A_850, %convert_element_type3A_969 : vector<16x2048xi32>
    %add3A_971 = arith.addi %add3A_880, %add3A_910 : vector<16x2048xi32>
    %add3A_972 = arith.addi %add3A_940, %add3A_970 : vector<16x2048xi32>
    %add3A_973 = arith.addi %add3A_971, %add3A_972 : vector<16x2048xi32>
    %reduce_sum3A = arith.constant dense<0> : vector<16xi32>
    %reduce_sum3A_974 = vector.multi_reduction <add>, %add3A_973, %reduce_sum3A [1] : vector<16x2048xi32> to vector<16xi32>
    %broadcast_in_dim3A_975 = vector.shape_cast %reduce_sum3A_974 : vector<16xi32> to vector<16x1xi32>
    %mul3A_976 = arith.constant 16 : i32
    %mul3A_977 = arith.muli %arg0, %mul3A_976 : i32
    %swap3A = arith.index_cast %mul3A_977 : i32 to index
    %swap3A_978 = arith.constant 0 : index
    %swap3A_979 = vector.load %arg6[%swap3A, %swap3A_978] : memref<512x1xi32, #tpu.memory_space<vmem>>, vector<16x1xi32>
    tpu.vector_store %arg6[%swap3A, %swap3A_978], %broadcast_in_dim3A_975 {strides = array<i32>} : memref<512x1xi32, #tpu.memory_space<vmem>>, vector<16x1xi32>,
    %eq3A = arith.constant 31 : i32
    %eq3A_980 = arith.cmpi eq, %arg0, %eq3A : i32
    %convert_element_type3A_981 = arith.extui %eq3A_980 : i1 to i32
    %cond3A = arith.constant 0 : i32
    %cond3A_982 = arith.cmpi ne, %convert_element_type3A_981, %cond3A : i32
    scf.if %cond3A_982 {
      %get3A_983 = arith.constant 0 : index
      %get3A_984 = arith.constant 0 : index
      %get3A_985 = vector.load %arg6[%get3A_983, %get3A_984] : memref<512x1xi32, #tpu.memory_space<vmem>>, vector<512x1xi32>
      %reduce_max3A = vector.shape_cast %get3A_985 : vector<512x1xi32> to vector<1x512x1xi32>
      %reduce_max3A_986 = arith.constant dense<-2147483648> : vector<1xi32>
      %reduce_max3A_987 = vector.multi_reduction <maxsi>, %reduce_max3A, %reduce_max3A_986 [1, 2] : vector<1x512x1xi32> to vector<1xi32>
      %reduce_max3A_988 = vector.shape_cast %reduce_max3A_987 : vector<1xi32> to vector<1x1x1xi32>
      %reduce_max3A_989 = vector.extract %reduce_max3A_988[0, 0, 0] : i32 from vector<1x1x1xi32>
      %iota3A = tpu.iota {dimensions = array<i32: 0>} : vector<512x1xi32>
      %eq3A_990 = vector.broadcast %reduce_max3A_989 : i32 to vector<512x1xi32>
      %eq3A_991 = arith.cmpi eq, %get3A_985, %eq3A_990 : vector<512x1xi32>
      %jit3A = arith.constant 512 : i32
      %broadcast_in_dim3A_992 = vector.broadcast %jit3A : i32 to vector<512x1xi32>
      %select_n3A = arith.select %eq3A_991, %iota3A, %broadcast_in_dim3A_992 : vector<512x1xi1>, vector<512x1xi32>
      %reduce_min3A = vector.shape_cast %select_n3A : vector<512x1xi32> to vector<1x512x1xi32>
      %reduce_min3A_993 = arith.constant dense<2147483647> : vector<1xi32>
      %reduce_min3A_994 = vector.multi_reduction <minsi>, %reduce_min3A, %reduce_min3A_993 [1, 2] : vector<1x512x1xi32> to vector<1xi32>
      %reduce_min3A_995 = vector.shape_cast %reduce_min3A_994 : vector<1xi32> to vector<1x1x1xi32>
      %reduce_min3A_996 = vector.extract %reduce_min3A_995[0, 0, 0] : i32 from vector<1x1x1xi32>
      %eq3A_997 = vector.broadcast %reduce_min3A_996 : i32 to vector<512x1xi32>
      %eq3A_998 = arith.cmpi eq, %iota3A, %eq3A_997 : vector<512x1xi32>
      %get3A_999 = arith.constant 0 : index
      %get3A_1000 = arith.constant 0 : index
      %get3A_1001 = vector.load %arg3[%get3A_999, %get3A_1000] : memref<512x2xf32, #tpu.memory_space<vmem>>, vector<512x1xf32>
      %jit3A_1002 = arith.constant 0.000000e+00 : f32
      %broadcast_in_dim3A_1003 = vector.broadcast %jit3A_1002 : f32 to vector<512x1xf32>
      %select_n3A_1004 = arith.select %eq3A_998, %get3A_1001, %broadcast_in_dim3A_1003 : vector<512x1xi1>, vector<512x1xf32>
      %reduce_sum3A_1005 = vector.shape_cast %select_n3A_1004 : vector<512x1xf32> to vector<1x512x1xf32>
      %reduce_sum3A_1006 = arith.constant dense<0.000000e+00> : vector<1xf32>
      %reduce_sum3A_1007 = vector.multi_reduction <add>, %reduce_sum3A_1005, %reduce_sum3A_1006 [1, 2] : vector<1x512x1xf32> to vector<1xf32>
      %reduce_sum3A_1008 = vector.shape_cast %reduce_sum3A_1007 : vector<1xf32> to vector<1x1x1xf32>
      %reduce_sum3A_1009 = vector.extract %reduce_sum3A_1008[0, 0, 0] : f32 from vector<1x1x1xf32>
      %swap3A_1010 = arith.constant 0 : index
      %swap3A_1011 = memref.load %arg4[%swap3A_1010] : memref<2xf32, #tpu.memory_space<smem>>
      memref.store %reduce_sum3A_1009, %arg4[%swap3A_1010] : memref<2xf32, #tpu.memory_space<smem>>
      %get3A_1012 = arith.constant 0 : index
      %get3A_1013 = arith.constant 1 : index
      %get3A_1014 = vector.load %arg3[%get3A_1012, %get3A_1013] : memref<512x2xf32, #tpu.memory_space<vmem>>, vector<512x1xf32>
      %jit3A_1015 = arith.constant 0.000000e+00 : f32
      %broadcast_in_dim3A_1016 = vector.broadcast %jit3A_1015 : f32 to vector<512x1xf32>
      %select_n3A_1017 = arith.select %eq3A_998, %get3A_1014, %broadcast_in_dim3A_1016 : vector<512x1xi1>, vector<512x1xf32>
      %reduce_sum3A_1018 = vector.shape_cast %select_n3A_1017 : vector<512x1xf32> to vector<1x512x1xf32>
      %reduce_sum3A_1019 = arith.constant dense<0.000000e+00> : vector<1xf32>
      %reduce_sum3A_1020 = vector.multi_reduction <add>, %reduce_sum3A_1018, %reduce_sum3A_1019 [1, 2] : vector<1x512x1xf32> to vector<1xf32>
      %reduce_sum3A_1021 = vector.shape_cast %reduce_sum3A_1020 : vector<1xf32> to vector<1x1x1xf32>
      %reduce_sum3A_1022 = vector.extract %reduce_sum3A_1021[0, 0, 0] : f32 from vector<1x1x1xf32>
      %swap3A_1023 = arith.constant 1 : index
      %swap3A_1024 = memref.load %arg4[%swap3A_1023] : memref<2xf32, #tpu.memory_space<smem>>
      memref.store %reduce_sum3A_1022, %arg4[%swap3A_1023] : memref<2xf32, #tpu.memory_space<smem>>
      %swap3A_1025 = arith.constant 0 : index
      %swap3A_1026 = memref.load %arg5[%swap3A_1025] : memref<1xi32, #tpu.memory_space<smem>>
      memref.store %reduce_max3A_989, %arg5[%swap3A_1025] : memref<1xi32, #tpu.memory_space<smem>>
    } else {
    }
    return
  }
  func.func @transform_0(%arg0: i32) -> (i32, i32) {
    %c0_i32 = arith.constant 0 : i32
    %c0_i32_0 = arith.constant 0 : i32
    %c0_i32_1 = arith.constant 0 : i32
    return %c0_i32, %c0_i32_0 : i32, i32
  }
  func.func @transform_1(%arg0: i32) -> (i32, i32) {
    %c0_i32 = arith.constant 0 : i32
    %c0_i32_0 = arith.constant 0 : i32
    %c0_i32_1 = arith.constant 0 : i32
    return %c0_i32, %c0_i32_0 : i32, i32
  }
  func.func @transform_2(%arg0: i32) -> (i32, i32) {
    %c0_i32 = arith.constant 0 : i32
    %c0_i32_0 = arith.constant 0 : i32
    %c0_i32_1 = arith.constant 0 : i32
    return %c0_i32, %c0_i32_0 : i32, i32
  }
  func.func @transform_3(%arg0: i32) -> i32 {
    %c0_i32 = arith.constant 0 : i32
    %c0_i32_0 = arith.constant 0 : i32
    return %c0_i32 : i32
  }
  func.func @transform_4(%arg0: i32) -> i32 {
    %c0_i32 = arith.constant 0 : i32
    %c0_i32_0 = arith.constant 0 : i32
    return %c0_i32 : i32
  }
}

</mosaic_0001>

<sc_bundles>
// kernel: gather_offload_async_start.1
scs
__scs_entry_jumppad:
0x0: {  	(pc) =	sbr.rel $0x88, $3  }
0x1: {  	(tag) =	ssettag $0x0;
	lr =	simm.s32 $0x1  }
0x2: {  	[smem:$0x3F9F] =	sst lr;
	_ =	strace $0xD0000000  }
0x3: {  	_ = 	snop  }
0x4: {  	_ = 	snop  }
0x5: {  	_ = 	snop  }
0x6: {  	_ = 	snop  }
0x7: {  	_ = 	snop  }
__scs_overlays_trampoline_lowered:
0x8: {  	[smem:$0x3FAE] =	sst s0  }
0x9: {  	[smem:$0x3FAF] =	sst s1  }
0xa: {  	[smem:$0x3FB0] =	sst s2  }
0xb: {  	[smem:$0x3FB1] =	sst s3  }
0xc: {  	[smem:$0x3FB2] =	sst s4  }
0xd: {  	[smem:$0x3FB3] =	sst s5  }
0xe: {  	[smem:$0x3FB4] =	sst s6  }
0xf: {  	[smem:$0x3FB5] =	sst s7  }
0x10: {  	[smem:$0x3FB6] =	sst s8  }
0x11: {  	[smem:$0x3FB7] =	sst s9;
	s0 =	simm.s32 @!p0 $0x0  }
0x12: {  	s1 =	sld [smem:$0x3F9D];
	s0 =	simm.s32 @p0 $0x1  }
0x13: {  	[smem:$0x3FB8] =	sst s0;
	s0 =	simm.s32 @!p1 $0x0  }
0x14: {  	s2 =	sld [smem:$0x3F9C];
	s0 =	simm.s32 @p1 $0x1  }
0x15: {  	[smem:$0x3FB9] =	sst s0;
	s0 =	simm.s32 @!p2 $0x0  }
0x16: {  	s3 =	sld [smem:$0x3FDB];
	s0 =	simm.s32 @p2 $0x1  }
0x17: {  	s4 =	simm.s32 $0x1BF5;
	[smem:$0x3FBB] =	sst s0  }
0x18: {  	s0 =	sld [smem:$0x3F9E];
	_ =	swait.ge [sflag:s4], $0x0  }
0x19: {  	s7 =	sld [smem:$0x3F9F]  }
0x1a: {  	s8 =	sadd.s32 $0xFFFFE003, lr  }
0x1b: {  	s9 =	sadd.s32 $0xFFFFFEF7, lr;
	s5 =	simm.s32 $0xFFFFFFFF;
	p2 =	slt.u32 s8, $0xFFFFF086  }
0x1c: {  	p1 =	slt.u32 s9, $0xF7A;
	s5 =	simm.s32 @!p2 $0x0  }
0x1d: {  	s5 =	simm.s32 @p1 $0x1;
	p0 =	seq.s32 s7, s2  }
0x1e: {  	s7 =	smul.u32 @!p0 $0xF7A, s2;
	p2 =	seq.s32 @!p0 s5, $0x0  }
0x1f: {  	s9 =	smul.u32 $0xF7A, s1;
	s8 =	simm.s32 @!p0 $0x1BF5;
	p2 =	por !p2, p0  }
0x20: {  	[sflag:s8] =	ssyncset.s32 @!p0 $0xFFFFF086;
	s6 =	sadd.s32 @!p0 s3, s7;
	s7 =	simm.s32 @!p0 $0x108  }
0x21: {  	s3 =	sadd.s32 s3, s9;
	s6 =	sadd.s32 @!p0 $0x88, s6;
	s7 =	simm.s32 @p2 $0x1082  }
0x22: {  	[simem:s7], [sflag:s8] =	dma.local @!p0 [hbm:s6], $0xF7A  }
0x23: {  	s9 =	sor.u32 $0xD0000000, s2;
	s6 =	simm.s32 $0x108;
	_ =	swait.ge @!p0 [sflag:s8], $0x0  }
0x24: {  	s3 =	sadd.s32 $0x88, s3;
	s6 =	simm.s32 @!p1 $0x1082;
	[sflag:s4] =	ssyncset.s32 $0xFFFFF086  }
0x25: {  	[simem:s6], [sflag:s4] =	dma.local [hbm:s3], $0xF7A  }
0x26: {  	[smem:$0x3F9F] =	sst s1;
	(tag) =	ssettag s2;
	_ =	strace s9  }
0x27: {  	s1 =	sld [smem:$0x3FAF]  }
0x28: {  	s2 =	sld [smem:$0x3FB0]  }
0x29: {  	s4 =	sld [smem:$0x3FB2]  }
0x2a: {  	p0 =	seq.s32 s5, $0x0;
	s5 =	sld [smem:$0x3FB3]  }
0x2b: {  	s6 =	sld [smem:$0x3FB4]  }
0x2c: {  	s7 =	sld [smem:$0x3FB5]  }
0x2d: {  	s3 =	simm.s32 $0x108;
	s8 =	sld [smem:$0x3FB6]  }
0x2e: {  	s3 =	simm.s32 @!p0 $0x1082;
	s9 =	sld [smem:$0x3FB7]  }
0x2f: {  	lr =	sadd.s32 s0, s3;
	s0 =	sld [smem:$0x3FAE]  }
0x30: {  	s3 =	sld [smem:$0x3FB1]  }
0x31: {  	[smem:$0x3FBA] =	sst s10  }
0x32: {  	s10 =	sld [smem:$0x3FB8];
	_ =	sdelay $0x3  }
0x33: {  	p0 =	seq.s32 s10, $0x1;
	s10 =	sld [smem:$0x3FBA];
	_ =	sdelay $0x3  }
0x34: {  	[smem:$0x3FBA] =	sst s10  }
0x35: {  	s10 =	sld [smem:$0x3FB9];
	_ =	sdelay $0x3  }
0x36: {  	p1 =	seq.s32 s10, $0x1;
	s10 =	sld [smem:$0x3FBA];
	_ =	sdelay $0x3  }
0x37: {  	[smem:$0x3FBA] =	sst s10  }
0x38: {  	s10 =	sld [smem:$0x3FBB]  }
0x39: {  	_ = 	snop;
	(pc) =	sbr.ind lr, $3  }
0x3a: {  	_ = 	snop  }
0x3b: {  	_ = 	snop  }
0x3c: {  	p2 =	seq.s32 s10, $0x1;
	s10 =	sld [smem:$0x3FBA]  }
0x3d: {  	_ =	shalt  }
0x3e: {  	_ =	shalt  }
0x3f: {  	_ =	shalt  }
0x40: {  	_ =	shalt  }
0x41: {  	_ =	shalt  }
0x42: {  	_ =	shalt  }
0x43: {  	_ =	shalt  }
0x44: {  	_ =	shalt  }
0x45: {  	_ =	shalt  }
0x46: {  	_ =	shalt  }
0x47: {  	_ =	shalt  }
0x48: {  	_ =	shalt  }
0x49: {  	_ =	shalt  }
0x4a: {  	_ =	shalt  }
0x4b: {  	_ =	shalt  }
0x4c: {  	_ =	shalt  }
0x4d: {  	_ =	shalt  }
0x4e: {  	_ =	shalt  }
0x4f: {  	_ =	shalt  }
0x50: {  	_ =	shalt  }
0x51: {  	_ =	shalt  }
0x52: {  	_ =	shalt  }
0x53: {  	_ =	shalt  }
0x54: {  	_ =	shalt  }
0x55: {  	_ =	shalt  }
0x56: {  	_ =	shalt  }
0x57: {  	_ =	shalt  }
0x58: {  	_ =	shalt  }
0x59: {  	_ =	shalt  }
0x5a: {  	_ =	shalt  }
0x5b: {  	_ =	shalt  }
0x5c: {  	_ =	shalt  }
0x5d: {  	_ =	shalt  }
0x5e: {  	_ =	shalt  }
0x5f: {  	_ =	shalt  }
0x60: {  	_ =	shalt  }
0x61: {  	_ =	shalt  }
0x62: {  	_ =	shalt  }
0x63: {  	_ =	shalt  }
0x64: {  	_ =	shalt  }
0x65: {  	_ =	shalt  }
0x66: {  	_ =	shalt  }
0x67: {  	_ =	shalt  }
0x68: {  	_ =	shalt  }
0x69: {  	_ =	shalt  }
0x6a: {  	_ =	shalt  }
0x6b: {  	_ =	shalt  }
0x6c: {  	_ =	shalt  }
0x6d: {  	_ =	shalt  }
0x6e: {  	_ =	shalt  }
0x6f: {  	_ =	shalt  }
0x70: {  	_ =	shalt  }
0x71: {  	_ =	shalt  }
0x72: {  	_ =	shalt  }
0x73: {  	_ =	shalt  }
0x74: {  	_ =	shalt  }
0x75: {  	_ =	shalt  }
0x76: {  	_ =	shalt  }
0x77: {  	_ =	shalt  }
0x78: {  	_ =	shalt  }
0x79: {  	_ =	shalt  }
0x7a: {  	_ =	shalt  }
0x7b: {  	_ =	shalt  }
0x7c: {  	_ =	shalt  }
0x7d: {  	_ =	shalt  }
0x7e: {  	_ =	shalt  }
0x7f: {  	_ =	shalt  }
0x80: {  	_ =	shalt  }
0x81: {  	_ =	shalt  }
0x82: {  	_ =	shalt  }
0x83: {  	_ =	shalt  }
0x84: {  	_ =	shalt  }
0x85: {  	_ =	shalt  }
0x86: {  	_ =	shalt  }
0x87: {  	_ =	shalt  }
.Lfunc_end0:
.L_simem_size_0:
called_computation.1_lowered:
.L_overlay_start_0:
0x88: {  	s2 =	sld [smem:$0x3FD9]  }
0x89: {  	s3 =	sld [smem:$0x3FFE];
	_ =	sdelay $0x1  }
0x8a: {  	s1 =	srdreg.scid  }
0x8b: {  	s0 =	sand.u32 $0x1, s1  }
0x8c: {  	s16 =	sshll.u32 s0, $0xA;
	s2 =	sadd.s32 s3, s2  }
0x8d: {  	s2 =	sadd.s32 s2, s16  }
0x8e: {  	[smem:$0x3FC6] =	sst s2  }
0x8f: {  	_ = 	snop  }
0x90: {  	(tm) =	ssettm $0x1  }
0x91: {  	s17 =	sld [smem:$0x3FFB];
	_ =	sdelay $0x3  }
0x92: {  	_ =	strace s17  }
0x93: {  	s2 =	sld [smem:$0x3FFC];
	_ =	sdelay $0x3  }
0x94: {  	_ =	strace s2  }
0x95: {  	s2 =	sld [smem:$0x3FFD];
	_ =	sdelay $0x3  }
0x96: {  	_ =	strace s2  }
0x97: {  	_ =	strace $0x8FFFFFFF  }
0x98: {  	s18 =	sld [smem:$0x3FDB];
	_ =	sdelay $0x1  }
0x99: {  	s19 =	simm.s32 $_scs_section_size  }
0x9a: {  	s4 =	simm.s32 $_size__tile_overlayer_lowered;
	s5 =	simm.s32 $_tile_overlayer_lowered  }
0x9b: {  	s22 =	simm.s32 $0x1BFF;
	s21 =	sshll.u32 s5, $0x1;
	s2 =	sadd.s32 s19, s18  }
0x9c: {  	s6 =	simm.s32 $0x0;
	s20 =	sshll.u32 s4, $0x1;
	s4 =	sadd.s32 s21, s2  }
0x9d: {  	[timem:s6], [sflag:s22] =	dma.local [hbm:s4], s20  }
0x9e: {  	_ =	swait.ge [sflag:s22], s20  }
0x9f: {  	s3 =	ssub.s32 $0x0, s20;
	[sflag:s22] =	ssyncset.done $0x0  }
0xa0: {  	[sflag:s22] =	ssyncadd.s32 s3;
	_ =	sdelay $0x1  }
0xa1: {  	s23 =	simm.s32 $0x1B8B  }
0xa2: {  	_ =	swait.ge [sflag:s23], $0x1  }
0xa3: {  	[sflag:s23] =	ssyncset.done $0x0  }
0xa4: {  	s25 =	simm.s32 $0x1B8E;
	s24 =	sld [smem:$0x3FFE];
	[sflag:s23] =	ssyncadd.s32 $0xFFFFFFFF  }
0xa5: {  	s26 =	simm.s32 $execute0_lowered;
	[smem:$0x3FD2] =	sst s25  }
0xa6: {  	s4 =	sshll.u32 s26, $0x1;
	_ =	strace $0x80000046;
	[dreg:$0x1] =	wrdreg $0xFFFFFFFF  }
0xa7: {  	s28 =	simm.s32 $_size_execute0_lowered;
	s2 =	sadd.s32 s2, s4;
	[dreg:$0x0] =	wrdreg $0x0  }
0xa8: {  	s4 =	sshll.u32 s28, $0x1;
	[dreg:$0x2] =	wrdreg s2  }
0xa9: {  	[dreg:$0x3] =	wrdreg s4  }
0xaa: {  	[dreg:$0x4] =	wrdreg $0xC0  }
0xab: {  	_ =	task [dreg:s6], $0x5FFFF  }
0xac: {  	[dreg:$0x1] =	wrdreg $0xFFFFFFFF  }
0xad: {  	[dreg:$0x0] =	wrdreg $0x60  }
0xae: {  	[dreg:$0x2] =	wrdreg s24  }
0xaf: {  	[dreg:$0x3] =	wrdreg $0xA  }
0xb0: {  	_ =	task.clear_ibuf [dreg:s6], $0x4FFFF;
	_ =	strace $0x90000046  }
0xb1: {  	s29 =	simm.s32 $0xA;
	_ =	strace $0x80000048  }
0xb2: {  	_ =	swait.ge [sflag:s29], $0x1  }
0xb3: {  	[sflag:s29] =	ssyncadd.s32 $0xFFFFFFFF  }
0xb4: {  	_ =	strace $0x90000048  }
0xb5: {  	_ =	sfence  }
0xb6: {  	s30 =	sld [smem:$0x0];
	_ =	sdelay $0x2  }
0xb7: {  	s31 =	sshll.u32 s1, $0xD;
	s1 =	sshrl.u32 s1, $0x2  }
0xb8: {  	s3 =	sand.u32 $0x4000, s31;
	s1 =	sadd.s32 s1, s30  }
0xb9: {  	s0 =	sor.u32 s3, s0;
	s1 =	sshll.u32 s1, $0x11  }
0xba: {  	s0 =	sor.u32 s1, s0  }
0xbb: {  	s0 =	sadd.s32 $0x8F2B, s0  }
0xbc: {  	[sflag:s0] =	ssyncadd.remote.s32 $0x1  }
0xbd: {  	_ =	sfence.sel $0xFFFF  }
0xbe: {  	[dreg:$0x0] =	wrdreg $0xFFFFFFFF;
	(pc) =	sbr.abs _section_cstart, $3  }
0xbf: {  	[dreg:$0x1] =	wrdreg $0xFFFFFFFF  }
0xc0: {  	_ =	task.clear_ibuf [dreg:s6], $0x2FFFF;
	_ =	strace $0x9FFFFFFF  }
0xc1: {  	(tm) =	ssettm $0x7FFFFFFF  }
tec
execute0_lowered:
.L_overlay_start_1:
0x0: {  	(tag) =	ssettag $0x1  }
0x1: {  	s7 =	rddreg [dreg:$0x0]  }
0x2: {  	s0 =	rddreg [dreg:$0x1];
	_ =	strace $0x80000047  }
0x3: {  	s1 =	srdreg.scid;
	s4 =	simm.s32 $0x1;
	s9 =	simm.s32 $0x3  }
0x4: {  	s12 =	simm.s32 $0x0;
	s10 =	simm.s32 $0x0;
	s5 =	sshll.u32 s1, $0x4  }
.Ltmp0:
0x5: {  	s1 =	stileid.u32;
	s5 =	sand.u32 $0x10, s5;
	(pc) =	sbr.rel .LBB2_1-.Ltmp0, $4  }
0x6: {  	s2 =	sadd.s32 $0xE00, s7;
	s3 =	sadd.s32 $0xC00, s7;
	s6 =	sor.u32 s1, s5  }
0x7: {  	[sflag:s4] =	ssyncpa.u1 $0x0;
	s5 =	simm.s32 $0x2;
	s6 =	sshll.u32 s6, $0x6  }
0x8: {  	s7 =	sadd.s32 $0x100E00, s7;
	[sflag:s5] =	ssyncpa.u1 $0x0;
	s8 =	sadd.s32 $0x40, s6  }
0x9: {  	vm0 =	vmmov $0xff;
	vm1 =	vcmask $0x3F20;
	[sflag:s9] =	ssyncpa.u1 $0x0;
	s9 =	simm.s32 $0x40;
	s11 =	smov.u32 s6  }
.LBB2_9:
0xa: {  	p0 =	seq.s32 s10, $0x2  }
.Ltmp1:
0xb: {  	_ = 	snop;
	(pc) =	sbr.rel @p0 .LBB2_11-.Ltmp1, $1  }
0xc: {  	_ =	sdelay $0x3  }
.LBB2_10:
0xd: {  	s12 =	sadd.s32 $0x40, s11  }
0xe: {  	s13 =	smov.u32 s6;
	p0 =	slt.s32 s12, s8  }
0xf: {  	s13 =	smov.u32 @p0 s12  }
0x10: {  	s10 =	sadd.s32 $0x1, s10;
	s12 =	smov.u32 s11;
	s11 =	smov.u32 s13  }
.LBB2_1:
0x11: {  	p0 =	sne.s32 s10, $0x0  }
.Ltmp2:
0x12: {  	_ = 	snop;
	(pc) =	sbr.rel @!p0 .LBB2_2-.Ltmp2, $1  }
0x13: {  	_ =	sdelay $0x3  }
0x14: {  	s13 =	sand.u32 $0x1, s10  }
0x15: {  	p0 =	seq.s32 s13, $0x0  }
.Ltmp3:
0x16: {  	_ = 	snop;
	(pc) =	sbr.rel @p0 .LBB2_9-.Ltmp3, $1  }
0x17: {  	_ =	sdelay $0x3  }
0x18: {  	_ =	swait.ge [sflag:s5], $0x40  }
0x19: {  	[sflag:s5] =	ssyncset.done $0x0  }
0x1a: {  	s13 =	simm.s32 $0x0;
	[sflag:s5] =	ssyncadd.s32 $0xFFFFFFC0  }
0x1b: {  	v0 =	vld.msk [tilespmem:s13+$0x40 ss:$0x1], $0xffff;
	_ =	sdelay $0x4  }
0x1c: {  	vm2 =	vgt.s32 v0, $0x0  }
0x1d: {  	v0 =	vnsel vm2, $0x0, v0  }
0x1e: {  	v0 =	vmin.u32 v0, $0xFFFF  }
0x1f: {  	v0 =	vshll.u32 v0, $0x4;
	_ =	sdelay $0x3  }
0x20: {  	s13 =	simm.s32 $0x2080  }
0x21: {  	[tilespmem:s13], [sflag:$0x1] =	stream.indirect_vreg.gather [hbm:s2], $0x80, v0, vm0, $0x38;
	[tilespmem:$0x4080] =	vst v63  }
0x22: {  	s14 =	simm.s32 $0x2480;
	s31 =	simm.s32 $0x10  }
0x23: {  	[tilespmem:s14], [sflag:$0x1] =	stream.indirect_vreg.gather [hbm:s2], $0x80, v0, vm1, $0x38;
	[tilespmem:$0x4080] =	vst v63  }
0x24: {  	s14 =	simm.s32 $0x80;
	v0 =	vld.msk [tilespmem:s31+$0x40 ss:$0x1], $0xffff  }
.LBB2_5:
0x25: {  	p0 =	sne.s32 s14, $0xC0;
	_ =	sdelay $0x4  }
0x26: {  	vm2 =	vgt.s32 v0, $0x0  }
0x27: {  	v0 =	vnsel vm2, $0x0, v0  }
0x28: {  	v0 =	vmin.u32 v0, $0xFFFF  }
0x29: {  	v0 =	vshll.u32 v0, $0x4;
	_ =	sdelay $0x3  }
.Ltmp4:
0x2a: {  	s13 =	sadd.s32 $0x800, s13;
	(pc) =	sbr.rel @p0 .LBB2_5-.Ltmp4, $4  }
0x2b: {  	[tilespmem:s13], [sflag:$0x1] =	stream.indirect_vreg.gather [hbm:s2], $0x80, v0, vm0, $0x38;
	[tilespmem:$0x4080] =	vst v63  }
0x2c: {  	s15 =	sshra.s32 s14, $0x2;
	s16 =	sadd.s32 $0x400, s13  }
0x2d: {  	[tilespmem:s16], [sflag:$0x1] =	stream.indirect_vreg.gather [hbm:s2], $0x80, v0, vm1, $0x38;
	[tilespmem:$0x4080] =	vst v63  }
0x2e: {  	s14 =	sadd.s32 $0x40, s14;
	v0 =	vld.msk [tilespmem:s15+$0x40 ss:$0x1], $0xffff  }
0x2f: {  	_ =	sdelay $0x3  }
0x30: {  	vm2 =	vgt.s32 v0, $0x0  }
0x31: {  	v0 =	vnsel vm2, $0x0, v0  }
0x32: {  	v0 =	vmin.u32 v0, $0xFFFF  }
0x33: {  	v0 =	vshll.u32 v0, $0x4;
	_ =	sdelay $0x3  }
0x34: {  	s13 =	sadd.s32 $0x800, s13  }
0x35: {  	[tilespmem:s13], [sflag:$0x1] =	stream.indirect_vreg.gather [hbm:s2], $0x80, v0, vm0, $0x38;
	[tilespmem:$0x4080] =	vst v63  }
0x36: {  	s13 =	sadd.s32 $0x400, s13  }
0x37: {  	[tilespmem:s13], [sflag:$0x1] =	stream.indirect_vreg.gather [hbm:s2], $0x80, v0, vm1, $0x38;
	[tilespmem:$0x4080] =	vst v63  }
0x38: {  	s12 =	sshll.u32 s12, $0x4;
	s14 =	simm.s32 $0x80;
	_ =	swait.ge [sflag:s4], $0x2000  }
0x39: {  	s15 =	simm.s32 $0x2480;
	s12 =	sadd.s32 s12, s7;
	[sflag:s4] =	ssyncset.done $0x0  }
0x3a: {  	s16 =	sadd.s32 $0x0, s12;
	s13 =	simm.s32 $0x2080;
	[sflag:s4] =	ssyncadd.s32 $0xFFFFE000  }
.LBB2_7:
0x3b: {  	[hbm:s16] =	stream.linear.scatter [tilespmem:s13], [sflag:$0x3], $0x400, $0x38;
	[tilespmem:$0x4080] =	vst v63  }
0x3c: {  	s16 =	smov.u32 s14;
	s13 =	smov.u32 s15;
	p0 =	sne.s32 s14, $0x380  }
.Ltmp5:
0x3d: {  	s14 =	sadd.s32 $0x80, s14;
	(pc) =	sbr.rel @p0 .LBB2_7-.Ltmp5, $2  }
0x3e: {  	_ =	sdelay $0x2  }
0x3f: {  	s15 =	sadd.s32 $0x400, s15;
	s16 =	sadd.s32 s16, s12  }
.Ltmp6:
0x40: {  	(pc) =	sbr.rel .LBB2_9-.Ltmp6, $2  }
0x41: {  	_ =	sdelay $0x2  }
0x42: {  	[hbm:s16] =	stream.linear.scatter [tilespmem:s13], [sflag:$0x3], $0x400, $0x38;
	[tilespmem:$0x4080] =	vst v63  }
.LBB2_2:
.Ltmp7:
0x43: {  	(pc) =	sbr.rel .LBB2_10-.Ltmp7, $4  }
0x44: {  	_ = 	snop  }
0x45: {  	s12 =	sshrl.u32 s11, $0x3  }
0x46: {  	s13 =	sand.u32 $0x7, s11;
	s12 =	sadd.s32 s3, s12  }
0x47: {  	[tilespmem:s9], [sflag:$0x2] =	stream.linear.gather [hbm4b:s12+s13], $0x40, $0x38;
	[tilespmem:$0x4080] =	vst v63  }
.LBB2_11:
0x48: {  	s2 =	simm.s32 $0x3  }
0x49: {  	_ =	swait.ge [sflag:s2], $0x2000  }
0x4a: {  	[sflag:s2] =	ssyncset.done $0x0  }
0x4b: {  	[sflag:s2] =	ssyncadd.s32 $0xFFFFE000  }
0x4c: {  	_ =	sfence.sel $0x180000  }
0x4d: {  	s3 =	simm.s32 $0x2;
	[bflag:$0x0] =	sbarrier.arrive $0xFFFF  }
0x4e: {  	[sflag:s3] =	ssyncpa.u1 $0x1  }
0x4f: {  	s31 =	simm.s32 $0x1;
	[sflag:s2] =	ssyncpa.u1 $0x1  }
0x50: {  	[sflag:s31] =	ssyncpa.u1 $0x1  }
0x51: {  	p0 =	sne.s32 s1, $0x0;
	_ =	strace $0x90000047  }
0x52: {  	s0 =	sadd.s32 @!p0 $0x100000, s0;
	[bflag:$0x2] =	sbarrier.arrive $0xFFFF  }
0x53: {  	[sflag:s0] =	ssyncadd.tile.s32 @!p0 $0x1;
	_ =	shalt  }
.Lfunc_end2:
_tile_overlayer_lowered:
.L_overlay_start_2:
0x54: {  	(tag) =	ssettag $0x2  }
0x55: {  	s0 =	rddreg [dreg:$0x0];
	s2 =	stileid.u32  }
0x56: {  	s1 =	rddreg [dreg:$0x1];
	p0 =	sne.s32 s2, $0x0  }
0x57: {  	s3 =	rddreg [dreg:$0x2];
	[bflag:$0x3] =	sbarrier.arrive $0xFFFF;
	s2 =	simm.s32 @!p0 $0x1C01  }
0x58: {  	[timem:s3], [sflag:s2] =	dma.local @!p0 [hbm:s0], s1  }
0x59: {  	s0 =	simm.s32 @!p0 $0x1  }
0x5a: {  	_ =	swait.ge @!p0 [sflag:s0], s1  }
0x5b: {  	s1 =	ssub.s32 @!p0 $0x0, s1;
	[sflag:s0] =	ssyncset.done @!p0 $0x0  }
0x5c: {  	[sflag:s0] =	ssyncadd.s32 @!p0 s1  }
0x5d: {  	[bflag:$0x3] =	sbarrier.arrive $0xFFFF  }
0x5e: {  	_ =	shalt  }

// kernel: gather_offload_async_start
scs
__scs_entry_jumppad:
0x0: {  	(pc) =	sbr.rel $0x88, $3  }
0x1: {  	(tag) =	ssettag $0x0;
	lr =	simm.s32 $0x1  }
0x2: {  	[smem:$0x3F9F] =	sst lr;
	_ =	strace $0xD0000000  }
0x3: {  	_ = 	snop  }
0x4: {  	_ = 	snop  }
0x5: {  	_ = 	snop  }
0x6: {  	_ = 	snop  }
0x7: {  	_ = 	snop  }
__scs_overlays_trampoline_lowered:
0x8: {  	[smem:$0x3FAE] =	sst s0  }
0x9: {  	[smem:$0x3FAF] =	sst s1  }
0xa: {  	[smem:$0x3FB0] =	sst s2  }
0xb: {  	[smem:$0x3FB1] =	sst s3  }
0xc: {  	[smem:$0x3FB2] =	sst s4  }
0xd: {  	[smem:$0x3FB3] =	sst s5  }
0xe: {  	[smem:$0x3FB4] =	sst s6  }
0xf: {  	[smem:$0x3FB5] =	sst s7  }
0x10: {  	[smem:$0x3FB6] =	sst s8  }
0x11: {  	[smem:$0x3FB7] =	sst s9;
	s0 =	simm.s32 @!p0 $0x0  }
0x12: {  	s1 =	sld [smem:$0x3F9D];
	s0 =	simm.s32 @p0 $0x1  }
0x13: {  	[smem:$0x3FB8] =	sst s0;
	s0 =	simm.s32 @!p1 $0x0  }
0x14: {  	s2 =	sld [smem:$0x3F9C];
	s0 =	simm.s32 @p1 $0x1  }
0x15: {  	[smem:$0x3FB9] =	sst s0;
	s0 =	simm.s32 @!p2 $0x0  }
0x16: {  	s3 =	sld [smem:$0x3FDB];
	s0 =	simm.s32 @p2 $0x1  }
0x17: {  	s4 =	simm.s32 $0x1BF5;
	[smem:$0x3FBB] =	sst s0  }
0x18: {  	s0 =	sld [smem:$0x3F9E];
	_ =	swait.ge [sflag:s4], $0x0  }
0x19: {  	s7 =	sld [smem:$0x3F9F]  }
0x1a: {  	s8 =	sadd.s32 $0xFFFFE003, lr  }
0x1b: {  	s9 =	sadd.s32 $0xFFFFFEF7, lr;
	s5 =	simm.s32 $0xFFFFFFFF;
	p2 =	slt.u32 s8, $0xFFFFF086  }
0x1c: {  	p1 =	slt.u32 s9, $0xF7A;
	s5 =	simm.s32 @!p2 $0x0  }
0x1d: {  	s5 =	simm.s32 @p1 $0x1;
	p0 =	seq.s32 s7, s2  }
0x1e: {  	s7 =	smul.u32 @!p0 $0xF7A, s2;
	p2 =	seq.s32 @!p0 s5, $0x0  }
0x1f: {  	s9 =	smul.u32 $0xF7A, s1;
	s8 =	simm.s32 @!p0 $0x1BF5;
	p2 =	por !p2, p0  }
0x20: {  	[sflag:s8] =	ssyncset.s32 @!p0 $0xFFFFF086;
	s6 =	sadd.s32 @!p0 s3, s7;
	s7 =	simm.s32 @!p0 $0x108  }
0x21: {  	s3 =	sadd.s32 s3, s9;
	s6 =	sadd.s32 @!p0 $0x88, s6;
	s7 =	simm.s32 @p2 $0x1082  }
0x22: {  	[simem:s7], [sflag:s8] =	dma.local @!p0 [hbm:s6], $0xF7A  }
0x23: {  	s9 =	sor.u32 $0xD0000000, s2;
	s6 =	simm.s32 $0x108;
	_ =	swait.ge @!p0 [sflag:s8], $0x0  }
0x24: {  	s3 =	sadd.s32 $0x88, s3;
	s6 =	simm.s32 @!p1 $0x1082;
	[sflag:s4] =	ssyncset.s32 $0xFFFFF086  }
0x25: {  	[simem:s6], [sflag:s4] =	dma.local [hbm:s3], $0xF7A  }
0x26: {  	[smem:$0x3F9F] =	sst s1;
	(tag) =	ssettag s2;
	_ =	strace s9  }
0x27: {  	s1 =	sld [smem:$0x3FAF]  }
0x28: {  	s2 =	sld [smem:$0x3FB0]  }
0x29: {  	s4 =	sld [smem:$0x3FB2]  }
0x2a: {  	p0 =	seq.s32 s5, $0x0;
	s5 =	sld [smem:$0x3FB3]  }
0x2b: {  	s6 =	sld [smem:$0x3FB4]  }
0x2c: {  	s7 =	sld [smem:$0x3FB5]  }
0x2d: {  	s3 =	simm.s32 $0x108;
	s8 =	sld [smem:$0x3FB6]  }
0x2e: {  	s3 =	simm.s32 @!p0 $0x1082;
	s9 =	sld [smem:$0x3FB7]  }
0x2f: {  	lr =	sadd.s32 s0, s3;
	s0 =	sld [smem:$0x3FAE]  }
0x30: {  	s3 =	sld [smem:$0x3FB1]  }
0x31: {  	[smem:$0x3FBA] =	sst s10  }
0x32: {  	s10 =	sld [smem:$0x3FB8];
	_ =	sdelay $0x3  }
0x33: {  	p0 =	seq.s32 s10, $0x1;
	s10 =	sld [smem:$0x3FBA];
	_ =	sdelay $0x3  }
0x34: {  	[smem:$0x3FBA] =	sst s10  }
0x35: {  	s10 =	sld [smem:$0x3FB9];
	_ =	sdelay $0x3  }
0x36: {  	p1 =	seq.s32 s10, $0x1;
	s10 =	sld [smem:$0x3FBA];
	_ =	sdelay $0x3  }
0x37: {  	[smem:$0x3FBA] =	sst s10  }
0x38: {  	s10 =	sld [smem:$0x3FBB]  }
0x39: {  	_ = 	snop;
	(pc) =	sbr.ind lr, $3  }
0x3a: {  	_ = 	snop  }
0x3b: {  	_ = 	snop  }
0x3c: {  	p2 =	seq.s32 s10, $0x1;
	s10 =	sld [smem:$0x3FBA]  }
0x3d: {  	_ =	shalt  }
0x3e: {  	_ =	shalt  }
0x3f: {  	_ =	shalt  }
0x40: {  	_ =	shalt  }
0x41: {  	_ =	shalt  }
0x42: {  	_ =	shalt  }
0x43: {  	_ =	shalt  }
0x44: {  	_ =	shalt  }
0x45: {  	_ =	shalt  }
0x46: {  	_ =	shalt  }
0x47: {  	_ =	shalt  }
0x48: {  	_ =	shalt  }
0x49: {  	_ =	shalt  }
0x4a: {  	_ =	shalt  }
0x4b: {  	_ =	shalt  }
0x4c: {  	_ =	shalt  }
0x4d: {  	_ =	shalt  }
0x4e: {  	_ =	shalt  }
0x4f: {  	_ =	shalt  }
0x50: {  	_ =	shalt  }
0x51: {  	_ =	shalt  }
0x52: {  	_ =	shalt  }
0x53: {  	_ =	shalt  }
0x54: {  	_ =	shalt  }
0x55: {  	_ =	shalt  }
0x56: {  	_ =	shalt  }
0x57: {  	_ =	shalt  }
0x58: {  	_ =	shalt  }
0x59: {  	_ =	shalt  }
0x5a: {  	_ =	shalt  }
0x5b: {  	_ =	shalt  }
0x5c: {  	_ =	shalt  }
0x5d: {  	_ =	shalt  }
0x5e: {  	_ =	shalt  }
0x5f: {  	_ =	shalt  }
0x60: {  	_ =	shalt  }
0x61: {  	_ =	shalt  }
0x62: {  	_ =	shalt  }
0x63: {  	_ =	shalt  }
0x64: {  	_ =	shalt  }
0x65: {  	_ =	shalt  }
0x66: {  	_ =	shalt  }
0x67: {  	_ =	shalt  }
0x68: {  	_ =	shalt  }
0x69: {  	_ =	shalt  }
0x6a: {  	_ =	shalt  }
0x6b: {  	_ =	shalt  }
0x6c: {  	_ =	shalt  }
0x6d: {  	_ =	shalt  }
0x6e: {  	_ =	shalt  }
0x6f: {  	_ =	shalt  }
0x70: {  	_ =	shalt  }
0x71: {  	_ =	shalt  }
0x72: {  	_ =	shalt  }
0x73: {  	_ =	shalt  }
0x74: {  	_ =	shalt  }
0x75: {  	_ =	shalt  }
0x76: {  	_ =	shalt  }
0x77: {  	_ =	shalt  }
0x78: {  	_ =	shalt  }
0x79: {  	_ =	shalt  }
0x7a: {  	_ =	shalt  }
0x7b: {  	_ =	shalt  }
0x7c: {  	_ =	shalt  }
0x7d: {  	_ =	shalt  }
0x7e: {  	_ =	shalt  }
0x7f: {  	_ =	shalt  }
0x80: {  	_ =	shalt  }
0x81: {  	_ =	shalt  }
0x82: {  	_ =	shalt  }
0x83: {  	_ =	shalt  }
0x84: {  	_ =	shalt  }
0x85: {  	_ =	shalt  }
0x86: {  	_ =	shalt  }
0x87: {  	_ =	shalt  }
.Lfunc_end0:
.L_simem_size_0:
called_computation_lowered:
.L_overlay_start_0:
0x88: {  	s2 =	sld [smem:$0x3FD9]  }
0x89: {  	s3 =	sld [smem:$0x3FFE];
	_ =	sdelay $0x1  }
0x8a: {  	s1 =	srdreg.scid  }
0x8b: {  	s0 =	sand.u32 $0x1, s1  }
0x8c: {  	s17 =	sshll.u32 s0, $0xA;
	s2 =	sadd.s32 s3, s2  }
0x8d: {  	s2 =	sadd.s32 s2, s17  }
0x8e: {  	[smem:$0x3FC6] =	sst s2  }
0x8f: {  	_ = 	snop  }
0x90: {  	(tm) =	ssettm $0x1  }
0x91: {  	s18 =	sld [smem:$0x3FFB];
	_ =	sdelay $0x3  }
0x92: {  	_ =	strace s18  }
0x93: {  	s2 =	sld [smem:$0x3FFC];
	_ =	sdelay $0x3  }
0x94: {  	_ =	strace s2  }
0x95: {  	s2 =	sld [smem:$0x3FFD];
	_ =	sdelay $0x3  }
0x96: {  	_ =	strace s2  }
0x97: {  	_ =	strace $0x8FFFFFFF  }
0x98: {  	s19 =	sld [smem:$0x3FDB];
	_ =	sdelay $0x1  }
0x99: {  	s20 =	simm.s32 $_scs_section_size  }
0x9a: {  	s4 =	simm.s32 $_size__tile_overlayer_lowered;
	s5 =	simm.s32 $_tile_overlayer_lowered  }
0x9b: {  	s6 =	simm.s32 $0x1BFF;
	s21 =	sshll.u32 s5, $0x1;
	s3 =	sadd.s32 s20, s19  }
0x9c: {  	s22 =	simm.s32 $0x0;
	s4 =	sshll.u32 s4, $0x1;
	s5 =	sadd.s32 s21, s3  }
0x9d: {  	[timem:s22], [sflag:s6] =	dma.local [hbm:s5], s4  }
0x9e: {  	_ =	swait.ge [sflag:s6], s4  }
0x9f: {  	s4 =	ssub.s32 $0x0, s4;
	[sflag:s6] =	ssyncset.done $0x0  }
0xa0: {  	[sflag:s6] =	ssyncadd.s32 s4;
	_ =	sdelay $0x1  }
0xa1: {  	s23 =	simm.s32 $0x1B8B  }
0xa2: {  	_ =	swait.ge [sflag:s23], $0x1  }
0xa3: {  	[sflag:s23] =	ssyncset.done $0x0  }
0xa4: {  	[sflag:s23] =	ssyncadd.s32 $0xFFFFFFFF  }
0xa5: {  	s4 =	sld [smem:$0x0]  }
0xa6: {  	s5 =	sand.u32 $0xFFFFFFFE, s1  }
0xa7: {  	p0 =	sne.s32 s1, s5  }
0xa8: {  	s5 =	sshll.u32 @p0 s5, $0xE  }
0xa9: {  	s5 =	sadd.s32 @p0 $0x11B8D, s5;
	s6 =	sshll.u32 @p0 s4, $0x11  }
0xaa: {  	s5 =	sor.u32 @p0 s6, s5  }
0xab: {  	[sflag:s5] =	ssyncadd.remote.s32 @p0 $0x1;
	_ =	sdelay $0x1  }
0xac: {  	s5 =	simm.s32 @p0 $0x1B8D  }
0xad: {  	_ =	swait.eq @p0 [sflag:s5], $0x1  }
0xae: {  	[sflag:s5] =	ssyncadd.s32 @p0 $0xFFFFFFFF  }
0xaf: {  	s6 =	sshll.u32 @!p0 s1, $0xE  }
0xb0: {  	s6 =	sor.u32 @!p0 $0x4000, s6;
	s5 =	simm.s32 @!p0 $0x1B8D  }
0xb1: {  	s4 =	sshll.u32 @!p0 s4, $0x11;
	s6 =	sadd.s32 @!p0 $0x11B8D, s6;
	_ =	swait.eq @!p0 [sflag:s5], $0x1  }
0xb2: {  	s4 =	sor.u32 @!p0 s4, s6;
	[sflag:s5] =	ssyncadd.s32 @!p0 $0xFFFFFFFF  }
0xb3: {  	s25 =	simm.s32 $0x1B8E;
	s24 =	sld [smem:$0x3FFE];
	[sflag:s4] =	ssyncadd.remote.s32 @!p0 $0x1  }
0xb4: {  	s26 =	simm.s32 $execute0_lowered;
	[smem:$0x3FD2] =	sst s25  }
0xb5: {  	s5 =	sshll.u32 s26, $0x1;
	_ =	strace $0x80000049;
	[dreg:$0x1] =	wrdreg $0xFFFFFFFF  }
0xb6: {  	s28 =	simm.s32 $_size_execute0_lowered;
	s3 =	sadd.s32 s3, s5;
	[dreg:$0x0] =	wrdreg $0x0  }
0xb7: {  	s5 =	sshll.u32 s28, $0x1;
	[dreg:$0x2] =	wrdreg s3  }
0xb8: {  	[dreg:$0x3] =	wrdreg s5  }
0xb9: {  	[dreg:$0x4] =	wrdreg $0xC0  }
0xba: {  	_ =	task [dreg:s22], $0x5FFFF  }
0xbb: {  	[dreg:$0x1] =	wrdreg $0xFFFFFFFF  }
0xbc: {  	[dreg:$0x0] =	wrdreg $0x60  }
0xbd: {  	[dreg:$0x2] =	wrdreg s24  }
0xbe: {  	[dreg:$0x3] =	wrdreg $0x9  }
0xbf: {  	_ =	task.clear_ibuf [dreg:s22], $0x4FFFF;
	_ =	strace $0x90000049  }
0xc0: {  	s29 =	simm.s32 $0x9;
	_ =	strace $0x8000004B  }
0xc1: {  	_ =	swait.ge [sflag:s29], $0x1  }
0xc2: {  	[sflag:s29] =	ssyncadd.s32 $0xFFFFFFFF  }
0xc3: {  	_ =	strace $0x9000004B  }
0xc4: {  	_ =	sfence  }
0xc5: {  	s30 =	sld [smem:$0x0];
	_ =	sdelay $0x2  }
0xc6: {  	s31 =	sshll.u32 s1, $0xD;
	s1 =	sshrl.u32 s1, $0x2  }
0xc7: {  	s4 =	sand.u32 $0x4000, s31;
	s1 =	sadd.s32 s1, s30  }
0xc8: {  	s0 =	sor.u32 s4, s0;
	s1 =	sshll.u32 s1, $0x11  }
0xc9: {  	s0 =	sor.u32 s1, s0  }
0xca: {  	s0 =	sadd.s32 $0x8F2B, s0  }
0xcb: {  	[sflag:s0] =	ssyncadd.remote.s32 $0x1  }
0xcc: {  	_ =	sfence.sel $0xFFFF  }
0xcd: {  	[dreg:$0x0] =	wrdreg $0xFFFFFFFF;
	(pc) =	sbr.abs _section_cstart, $3  }
0xce: {  	[dreg:$0x1] =	wrdreg $0xFFFFFFFF  }
0xcf: {  	_ =	task.clear_ibuf [dreg:s22], $0x2FFFF;
	_ =	strace $0x9FFFFFFF  }
0xd0: {  	(tm) =	ssettm $0x7FFFFFFF  }
0xd1: {  	_ =	shalt  }
tec
execute0_lowered:
.L_overlay_start_1:
0x0: {  	(tag) =	ssettag $0x1  }
0x1: {  	s7 =	rddreg [dreg:$0x0]  }
0x2: {  	s0 =	rddreg [dreg:$0x1];
	_ =	strace $0x8000004A  }
0x3: {  	s1 =	srdreg.scid;
	s4 =	simm.s32 $0x1;
	s9 =	simm.s32 $0x3  }
0x4: {  	s12 =	simm.s32 $0x0;
	s10 =	simm.s32 $0x0;
	s5 =	sshll.u32 s1, $0x4  }
.Ltmp0:
0x5: {  	s1 =	stileid.u32;
	s5 =	sand.u32 $0x10, s5;
	(pc) =	sbr.rel .LBB2_1-.Ltmp0, $4  }
0x6: {  	s2 =	sadd.s32 $0x108E00, s7;
	s3 =	sadd.s32 $0xC00, s7;
	s6 =	sor.u32 s1, s5  }
0x7: {  	[sflag:s4] =	ssyncpa.u1 $0x0;
	s5 =	simm.s32 $0x2;
	s6 =	sshll.u32 s6, $0x6  }
0x8: {  	s7 =	sadd.s32 $0x208E00, s7;
	[sflag:s5] =	ssyncpa.u1 $0x0;
	s8 =	sadd.s32 $0x40, s6  }
0x9: {  	vm0 =	vmmov $0xff;
	vm1 =	vcmask $0x3F20;
	[sflag:s9] =	ssyncpa.u1 $0x0;
	s9 =	simm.s32 $0x40;
	s11 =	smov.u32 s6  }
.LBB2_9:
0xa: {  	p0 =	seq.s32 s10, $0x2  }
.Ltmp1:
0xb: {  	_ = 	snop;
	(pc) =	sbr.rel @p0 .LBB2_11-.Ltmp1, $1  }
0xc: {  	_ =	sdelay $0x3  }
.LBB2_10:
0xd: {  	s12 =	sadd.s32 $0x40, s11  }
0xe: {  	s13 =	smov.u32 s6;
	p0 =	slt.s32 s12, s8  }
0xf: {  	s13 =	smov.u32 @p0 s12  }
0x10: {  	s10 =	sadd.s32 $0x1, s10;
	s12 =	smov.u32 s11;
	s11 =	smov.u32 s13  }
.LBB2_1:
0x11: {  	p0 =	sne.s32 s10, $0x0  }
.Ltmp2:
0x12: {  	_ = 	snop;
	(pc) =	sbr.rel @!p0 .LBB2_2-.Ltmp2, $1  }
0x13: {  	_ =	sdelay $0x3  }
0x14: {  	s13 =	sand.u32 $0x1, s10  }
0x15: {  	p0 =	seq.s32 s13, $0x0  }
.Ltmp3:
0x16: {  	_ = 	snop;
	(pc) =	sbr.rel @p0 .LBB2_9-.Ltmp3, $1  }
0x17: {  	_ =	sdelay $0x3  }
0x18: {  	_ =	swait.ge [sflag:s5], $0x40  }
0x19: {  	[sflag:s5] =	ssyncset.done $0x0  }
0x1a: {  	s13 =	simm.s32 $0x0;
	[sflag:s5] =	ssyncadd.s32 $0xFFFFFFC0  }
0x1b: {  	v0 =	vld.msk [tilespmem:s13+$0x40 ss:$0x1], $0xffff;
	_ =	sdelay $0x4  }
0x1c: {  	vm2 =	vgt.s32 v0, $0x0  }
0x1d: {  	v0 =	vnsel vm2, $0x0, v0  }
0x1e: {  	v0 =	vmin.u32 v0, $0xFFFF  }
0x1f: {  	v0 =	vshll.u32 v0, $0x4;
	_ =	sdelay $0x3  }
0x20: {  	s13 =	simm.s32 $0x2080  }
0x21: {  	[tilespmem:s13], [sflag:$0x1] =	stream.indirect_vreg.gather [hbm:s2], $0x80, v0, vm0, $0x38;
	[tilespmem:$0x4080] =	vst v63  }
0x22: {  	s14 =	simm.s32 $0x2480;
	s31 =	simm.s32 $0x10  }
0x23: {  	[tilespmem:s14], [sflag:$0x1] =	stream.indirect_vreg.gather [hbm:s2], $0x80, v0, vm1, $0x38;
	[tilespmem:$0x4080] =	vst v63  }
0x24: {  	s14 =	simm.s32 $0x80;
	v0 =	vld.msk [tilespmem:s31+$0x40 ss:$0x1], $0xffff  }
.LBB2_5:
0x25: {  	p0 =	sne.s32 s14, $0xC0;
	_ =	sdelay $0x4  }
0x26: {  	vm2 =	vgt.s32 v0, $0x0  }
0x27: {  	v0 =	vnsel vm2, $0x0, v0  }
0x28: {  	v0 =	vmin.u32 v0, $0xFFFF  }
0x29: {  	v0 =	vshll.u32 v0, $0x4;
	_ =	sdelay $0x3  }
.Ltmp4:
0x2a: {  	s13 =	sadd.s32 $0x800, s13;
	(pc) =	sbr.rel @p0 .LBB2_5-.Ltmp4, $4  }
0x2b: {  	[tilespmem:s13], [sflag:$0x1] =	stream.indirect_vreg.gather [hbm:s2], $0x80, v0, vm0, $0x38;
	[tilespmem:$0x4080] =	vst v63  }
0x2c: {  	s15 =	sshra.s32 s14, $0x2;
	s16 =	sadd.s32 $0x400, s13  }
0x2d: {  	[tilespmem:s16], [sflag:$0x1] =	stream.indirect_vreg.gather [hbm:s2], $0x80, v0, vm1, $0x38;
	[tilespmem:$0x4080] =	vst v63  }
0x2e: {  	s14 =	sadd.s32 $0x40, s14;
	v0 =	vld.msk [tilespmem:s15+$0x40 ss:$0x1], $0xffff  }
0x2f: {  	_ =	sdelay $0x3  }
0x30: {  	vm2 =	vgt.s32 v0, $0x0  }
0x31: {  	v0 =	vnsel vm2, $0x0, v0  }
0x32: {  	v0 =	vmin.u32 v0, $0xFFFF  }
0x33: {  	v0 =	vshll.u32 v0, $0x4;
	_ =	sdelay $0x3  }
0x34: {  	s13 =	sadd.s32 $0x800, s13  }
0x35: {  	[tilespmem:s13], [sflag:$0x1] =	stream.indirect_vreg.gather [hbm:s2], $0x80, v0, vm0, $0x38;
	[tilespmem:$0x4080] =	vst v63  }
0x36: {  	s13 =	sadd.s32 $0x400, s13  }
0x37: {  	[tilespmem:s13], [sflag:$0x1] =	stream.indirect_vreg.gather [hbm:s2], $0x80, v0, vm1, $0x38;
	[tilespmem:$0x4080] =	vst v63  }
0x38: {  	s12 =	sshll.u32 s12, $0x4;
	s14 =	simm.s32 $0x80;
	_ =	swait.ge [sflag:s4], $0x2000  }
0x39: {  	s15 =	simm.s32 $0x2480;
	s12 =	sadd.s32 s12, s7;
	[sflag:s4] =	ssyncset.done $0x0  }
0x3a: {  	s16 =	sadd.s32 $0x0, s12;
	s13 =	simm.s32 $0x2080;
	[sflag:s4] =	ssyncadd.s32 $0xFFFFE000  }
.LBB2_7:
0x3b: {  	[hbm:s16] =	stream.linear.scatter [tilespmem:s13], [sflag:$0x3], $0x400, $0x38;
	[tilespmem:$0x4080] =	vst v63  }
0x3c: {  	s16 =	smov.u32 s14;
	s13 =	smov.u32 s15;
	p0 =	sne.s32 s14, $0x380  }
.Ltmp5:
0x3d: {  	s14 =	sadd.s32 $0x80, s14;
	(pc) =	sbr.rel @p0 .LBB2_7-.Ltmp5, $2  }
0x3e: {  	_ =	sdelay $0x2  }
0x3f: {  	s15 =	sadd.s32 $0x400, s15;
	s16 =	sadd.s32 s16, s12  }
.Ltmp6:
0x40: {  	(pc) =	sbr.rel .LBB2_9-.Ltmp6, $2  }
0x41: {  	_ =	sdelay $0x2  }
0x42: {  	[hbm:s16] =	stream.linear.scatter [tilespmem:s13], [sflag:$0x3], $0x400, $0x38;
	[tilespmem:$0x4080] =	vst v63  }
.LBB2_2:
.Ltmp7:
0x43: {  	(pc) =	sbr.rel .LBB2_10-.Ltmp7, $4  }
0x44: {  	_ = 	snop  }
0x45: {  	s12 =	sshrl.u32 s11, $0x3  }
0x46: {  	s13 =	sand.u32 $0x7, s11;
	s12 =	sadd.s32 s3, s12  }
0x47: {  	[tilespmem:s9], [sflag:$0x2] =	stream.linear.gather [hbm4b:s12+s13], $0x40, $0x38;
	[tilespmem:$0x4080] =	vst v63  }
.LBB2_11:
0x48: {  	s2 =	simm.s32 $0x3  }
0x49: {  	_ =	swait.ge [sflag:s2], $0x2000  }
0x4a: {  	[sflag:s2] =	ssyncset.done $0x0  }
0x4b: {  	[sflag:s2] =	ssyncadd.s32 $0xFFFFE000  }
0x4c: {  	_ =	sfence.sel $0x180000  }
0x4d: {  	s3 =	simm.s32 $0x2;
	[bflag:$0x0] =	sbarrier.arrive $0xFFFF  }
0x4e: {  	[sflag:s3] =	ssyncpa.u1 $0x1  }
0x4f: {  	s31 =	simm.s32 $0x1;
	[sflag:s2] =	ssyncpa.u1 $0x1  }
0x50: {  	[sflag:s31] =	ssyncpa.u1 $0x1  }
0x51: {  	p0 =	sne.s32 s1, $0x0;
	_ =	strace $0x9000004A  }
0x52: {  	s0 =	sadd.s32 @!p0 $0x100000, s0;
	[bflag:$0x2] =	sbarrier.arrive $0xFFFF  }
0x53: {  	[sflag:s0] =	ssyncadd.tile.s32 @!p0 $0x1;
	_ =	shalt  }
.Lfunc_end2:
_tile_overlayer_lowered:
.L_overlay_start_2:
0x54: {  	(tag) =	ssettag $0x2  }
0x55: {  	s0 =	rddreg [dreg:$0x0];
	s2 =	stileid.u32  }
0x56: {  	s1 =	rddreg [dreg:$0x1];
	p0 =	sne.s32 s2, $0x0  }
0x57: {  	s3 =	rddreg [dreg:$0x2];
	[bflag:$0x3] =	sbarrier.arrive $0xFFFF;
	s2 =	simm.s32 @!p0 $0x1C01  }
0x58: {  	[timem:s3], [sflag:s2] =	dma.local @!p0 [hbm:s0], s1  }
0x59: {  	s0 =	simm.s32 @!p0 $0x1  }
0x5a: {  	_ =	swait.ge @!p0 [sflag:s0], s1  }
0x5b: {  	s1 =	ssub.s32 @!p0 $0x0, s1;
	[sflag:s0] =	ssyncset.done @!p0 $0x0  }
0x5c: {  	[sflag:s0] =	ssyncadd.s32 @!p0 s1  }
0x5d: {  	[bflag:$0x3] =	sbarrier.arrive $0xFFFF  }
0x5e: {  	_ =	shalt  }

</sc_bundles>
